<compile_context>
chip_gen: v7x
topology: tpu7x:2x2x1
jax: 0.10.2.dev20260603
libtpu: 0.0.44.dev20260713+nightly
codegen_flags: <defaults>
</compile_context>

<pallas_src>
import functools

import jax
import jax.numpy as jnp
from jax import lax
from jax.experimental import pallas as pl
from jax.experimental.pallas import tpu as pltpu
from jax.experimental.pallas import tpu_sc as plsc

B, S, C = 32, 8192, 128
K = 8
LANES = 16
NCG = C // LANES
ROWS = 256
NCHUNK = S // ROWS


def _kmax_body(x_hbm, out_hbm, buf, runner, outbuf):
    cid = lax.axis_index("c")
    sid = lax.axis_index("s")
    b = sid * 2 + cid

    neg_inf = jnp.full((LANES,), -jnp.inf, dtype=jnp.float32)
    for j in range(K):
        for cg in range(NCG):
            runner[j, pl.ds(cg * LANES, LANES)] = neg_inf

    def chunk_body(chunk, carry):
        pltpu.sync_copy(x_hbm.at[b, pl.ds(chunk * ROWS, ROWS), :], buf)
        for cg in range(NCG):
            cbase = cg * LANES

            def row_body(i, rcarry):
                v = buf[i, pl.ds(cbase, LANES)]
                out = []
                for j in range(K):
                    hi = jnp.maximum(rcarry[j], v)
                    v = jnp.minimum(rcarry[j], v)
                    out.append(hi)
                return tuple(out)

            init = tuple(runner[j, pl.ds(cbase, LANES)] for j in range(K))
            res = lax.fori_loop(0, ROWS, row_body, init)
            for j in range(K):
                runner[j, pl.ds(cbase, LANES)] = res[j]
        return carry

    lax.fori_loop(0, NCHUNK, chunk_body, 0)

    lane = lax.iota(jnp.int32, LANES)
    for cg in range(NCG):
        for j in range(K):
            v = runner[j, pl.ds(cg * LANES, LANES)]
            idx = lane * K + (cg * LANES * K + j)
            plsc.store_scatter(outbuf, [idx], v)
    pltpu.sync_copy(outbuf, out_hbm.at[b])


@jax.jit
def kernel(inputs):
    f = functools.partial(
        pl.kernel,
        mesh=plsc.VectorSubcoreMesh(core_axis_name="c", subcore_axis_name="s"),
        compiler_params=pltpu.CompilerParams(needs_layout_passes=False),
        out_type=jax.ShapeDtypeStruct((B, C * K), jnp.float32),
        scratch_types=[
            pltpu.VMEM((ROWS, C), jnp.float32),
            pltpu.VMEM((K, C), jnp.float32),
            pltpu.VMEM((C * K,), jnp.float32),
        ],
    )(_kmax_body)
    return f(inputs)

# --- scband reference (transcript-rebuilt; emitter-appended) ---
"""Pipeline reference for scband-kmax-pooling-86552180949809 (READ-ONLY COPY).

The authoritative reference and input builder live on the scoring server;
editing this copy changes nothing except your own understanding.
"""

import jax, jax.numpy as jnp
import numpy as np

K_TOPK = 8

def setup_inputs(seed: int = 0) -> dict:
    key = jax.random.key(seed)
    x = jax.random.normal(key, (32, 8192, 128), dtype=jnp.float32)
    return {"inputs": x}

def reference(inputs):
    # KMaxPooling: transpose [B, S, C] -> [B, C, S], take top-k along last axis, flatten
    shifted = jnp.transpose(inputs, (0, 2, 1))
    top_k_vals, _ = jax.lax.top_k(shifted, K_TOPK)  # sorted=True semantics
    out = top_k_vals.reshape(top_k_vals.shape[0], -1)  # [B, C*k]
    return out

if __name__ == "__main__":
    import jax
    _d = setup_inputs()
    print(jax.jit(kernel)(*tuple(_d.values())))

</pallas_src>

<mosaic_0001>
#map = affine_map<(d0, d1) -> (0, 0, 0)>
#map1 = affine_map<(d0, d1) -> (0, 0)>
module attributes {stable_mosaic.version = 14 : i64} {
  func.func @_kmax_body(%arg0: i32, %arg1: i32, %arg2: memref<32x8192x128xf32, #tpu.memory_space<hbm>>, %arg3: memref<32x1024xf32, #tpu.memory_space<hbm>>, %arg4: memref<256x128xf32, #tpu.memory_space<vmem>>, %arg5: memref<8x128xf32, #tpu.memory_space<vmem>>, %arg6: memref<1024xf32, #tpu.memory_space<vmem>>) attributes {dimension_semantics = [#tpu.dimension_semantics<core_parallel>, #tpu.dimension_semantics<subcore_parallel>], iteration_bounds = array<i64: 2, 16>, scalar_prefetch = 0 : i64, scratch_operands = 3 : i64, tpu.core_type = #tpu.core_type<sc_vector_subcore>, window_params = [{transform_indices = #map}, {transform_indices = #map1}]} {
    %mul3A = arith.constant 2 : i32
    %mul3A_0 = arith.muli %arg1, %mul3A : i32
    %add3A = arith.addi %mul3A_0, %arg0 : i32
    %broadcast_in_dim3A = arith.constant 0xFF800000 : f32
    %broadcast_in_dim3A_1 = vector.broadcast %broadcast_in_dim3A : f32 to vector<16xf32>
    %swap3A = arith.constant 0 : i32
    %swap3A_2 = arith.index_cast %swap3A : i32 to index
    %swap3A_3 = arith.constant 0 : index
    %swap3A_4 = tpu.vector_load %arg5[%swap3A_2, %swap3A_3] {strides = array<i32>} : memref<8x128xf32, #tpu.memory_space<vmem>>, vector<16xf32>,
    tpu.vector_store %arg5[%swap3A_2, %swap3A_3], %broadcast_in_dim3A_1 {strides = array<i32>} : memref<8x128xf32, #tpu.memory_space<vmem>>, vector<16xf32>,
    %swap3A_5 = arith.constant 0 : i32
    %swap3A_6 = arith.index_cast %swap3A_5 : i32 to index
    %swap3A_7 = arith.constant 16 : index
    %swap3A_8 = tpu.vector_load %arg5[%swap3A_6, %swap3A_7] {strides = array<i32>} : memref<8x128xf32, #tpu.memory_space<vmem>>, vector<16xf32>,
    tpu.vector_store %arg5[%swap3A_6, %swap3A_7], %broadcast_in_dim3A_1 {strides = array<i32>} : memref<8x128xf32, #tpu.memory_space<vmem>>, vector<16xf32>,
    %swap3A_9 = arith.constant 0 : i32
    %swap3A_10 = arith.index_cast %swap3A_9 : i32 to index
    %swap3A_11 = arith.constant 32 : index
    %swap3A_12 = tpu.vector_load %arg5[%swap3A_10, %swap3A_11] {strides = array<i32>} : memref<8x128xf32, #tpu.memory_space<vmem>>, vector<16xf32>,
    tpu.vector_store %arg5[%swap3A_10, %swap3A_11], %broadcast_in_dim3A_1 {strides = array<i32>} : memref<8x128xf32, #tpu.memory_space<vmem>>, vector<16xf32>,
    %swap3A_13 = arith.constant 0 : i32
    %swap3A_14 = arith.index_cast %swap3A_13 : i32 to index
    %swap3A_15 = arith.constant 48 : index
    %swap3A_16 = tpu.vector_load %arg5[%swap3A_14, %swap3A_15] {strides = array<i32>} : memref<8x128xf32, #tpu.memory_space<vmem>>, vector<16xf32>,
    tpu.vector_store %arg5[%swap3A_14, %swap3A_15], %broadcast_in_dim3A_1 {strides = array<i32>} : memref<8x128xf32, #tpu.memory_space<vmem>>, vector<16xf32>,
    %swap3A_17 = arith.constant 0 : i32
    %swap3A_18 = arith.index_cast %swap3A_17 : i32 to index
    %swap3A_19 = arith.constant 64 : index
    %swap3A_20 = tpu.vector_load %arg5[%swap3A_18, %swap3A_19] {strides = array<i32>} : memref<8x128xf32, #tpu.memory_space<vmem>>, vector<16xf32>,
    tpu.vector_store %arg5[%swap3A_18, %swap3A_19], %broadcast_in_dim3A_1 {strides = array<i32>} : memref<8x128xf32, #tpu.memory_space<vmem>>, vector<16xf32>,
    %swap3A_21 = arith.constant 0 : i32
    %swap3A_22 = arith.index_cast %swap3A_21 : i32 to index
    %swap3A_23 = arith.constant 80 : index
    %swap3A_24 = tpu.vector_load %arg5[%swap3A_22, %swap3A_23] {strides = array<i32>} : memref<8x128xf32, #tpu.memory_space<vmem>>, vector<16xf32>,
    tpu.vector_store %arg5[%swap3A_22, %swap3A_23], %broadcast_in_dim3A_1 {strides = array<i32>} : memref<8x128xf32, #tpu.memory_space<vmem>>, vector<16xf32>,
    %swap3A_25 = arith.constant 0 : i32
    %swap3A_26 = arith.index_cast %swap3A_25 : i32 to index
    %swap3A_27 = arith.constant 96 : index
    %swap3A_28 = tpu.vector_load %arg5[%swap3A_26, %swap3A_27] {strides = array<i32>} : memref<8x128xf32, #tpu.memory_space<vmem>>, vector<16xf32>,
    tpu.vector_store %arg5[%swap3A_26, %swap3A_27], %broadcast_in_dim3A_1 {strides = array<i32>} : memref<8x128xf32, #tpu.memory_space<vmem>>, vector<16xf32>,
    %swap3A_29 = arith.constant 0 : i32
    %swap3A_30 = arith.index_cast %swap3A_29 : i32 to index
    %swap3A_31 = arith.constant 112 : index
    %swap3A_32 = tpu.vector_load %arg5[%swap3A_30, %swap3A_31] {strides = array<i32>} : memref<8x128xf32, #tpu.memory_space<vmem>>, vector<16xf32>,
    tpu.vector_store %arg5[%swap3A_30, %swap3A_31], %broadcast_in_dim3A_1 {strides = array<i32>} : memref<8x128xf32, #tpu.memory_space<vmem>>, vector<16xf32>,
    %swap3A_33 = arith.constant 1 : i32
    %swap3A_34 = arith.index_cast %swap3A_33 : i32 to index
    %swap3A_35 = arith.constant 0 : index
    %swap3A_36 = tpu.vector_load %arg5[%swap3A_34, %swap3A_35] {strides = array<i32>} : memref<8x128xf32, #tpu.memory_space<vmem>>, vector<16xf32>,
    tpu.vector_store %arg5[%swap3A_34, %swap3A_35], %broadcast_in_dim3A_1 {strides = array<i32>} : memref<8x128xf32, #tpu.memory_space<vmem>>, vector<16xf32>,
    %swap3A_37 = arith.constant 1 : i32
    %swap3A_38 = arith.index_cast %swap3A_37 : i32 to index
    %swap3A_39 = arith.constant 16 : index
    %swap3A_40 = tpu.vector_load %arg5[%swap3A_38, %swap3A_39] {strides = array<i32>} : memref<8x128xf32, #tpu.memory_space<vmem>>, vector<16xf32>,
    tpu.vector_store %arg5[%swap3A_38, %swap3A_39], %broadcast_in_dim3A_1 {strides = array<i32>} : memref<8x128xf32, #tpu.memory_space<vmem>>, vector<16xf32>,
    %swap3A_41 = arith.constant 1 : i32
    %swap3A_42 = arith.index_cast %swap3A_41 : i32 to index
    %swap3A_43 = arith.constant 32 : index
    %swap3A_44 = tpu.vector_load %arg5[%swap3A_42, %swap3A_43] {strides = array<i32>} : memref<8x128xf32, #tpu.memory_space<vmem>>, vector<16xf32>,
    tpu.vector_store %arg5[%swap3A_42, %swap3A_43], %broadcast_in_dim3A_1 {strides = array<i32>} : memref<8x128xf32, #tpu.memory_space<vmem>>, vector<16xf32>,
    %swap3A_45 = arith.constant 1 : i32
    %swap3A_46 = arith.index_cast %swap3A_45 : i32 to index
    %swap3A_47 = arith.constant 48 : index
    %swap3A_48 = tpu.vector_load %arg5[%swap3A_46, %swap3A_47] {strides = array<i32>} : memref<8x128xf32, #tpu.memory_space<vmem>>, vector<16xf32>,
    tpu.vector_store %arg5[%swap3A_46, %swap3A_47], %broadcast_in_dim3A_1 {strides = array<i32>} : memref<8x128xf32, #tpu.memory_space<vmem>>, vector<16xf32>,
    %swap3A_49 = arith.constant 1 : i32
    %swap3A_50 = arith.index_cast %swap3A_49 : i32 to index
    %swap3A_51 = arith.constant 64 : index
    %swap3A_52 = tpu.vector_load %arg5[%swap3A_50, %swap3A_51] {strides = array<i32>} : memref<8x128xf32, #tpu.memory_space<vmem>>, vector<16xf32>,
    tpu.vector_store %arg5[%swap3A_50, %swap3A_51], %broadcast_in_dim3A_1 {strides = array<i32>} : memref<8x128xf32, #tpu.memory_space<vmem>>, vector<16xf32>,
    %swap3A_53 = arith.constant 1 : i32
    %swap3A_54 = arith.index_cast %swap3A_53 : i32 to index
    %swap3A_55 = arith.constant 80 : index
    %swap3A_56 = tpu.vector_load %arg5[%swap3A_54, %swap3A_55] {strides = array<i32>} : memref<8x128xf32, #tpu.memory_space<vmem>>, vector<16xf32>,
    tpu.vector_store %arg5[%swap3A_54, %swap3A_55], %broadcast_in_dim3A_1 {strides = array<i32>} : memref<8x128xf32, #tpu.memory_space<vmem>>, vector<16xf32>,
    %swap3A_57 = arith.constant 1 : i32
    %swap3A_58 = arith.index_cast %swap3A_57 : i32 to index
    %swap3A_59 = arith.constant 96 : index
    %swap3A_60 = tpu.vector_load %arg5[%swap3A_58, %swap3A_59] {strides = array<i32>} : memref<8x128xf32, #tpu.memory_space<vmem>>, vector<16xf32>,
    tpu.vector_store %arg5[%swap3A_58, %swap3A_59], %broadcast_in_dim3A_1 {strides = array<i32>} : memref<8x128xf32, #tpu.memory_space<vmem>>, vector<16xf32>,
    %swap3A_61 = arith.constant 1 : i32
    %swap3A_62 = arith.index_cast %swap3A_61 : i32 to index
    %swap3A_63 = arith.constant 112 : index
    %swap3A_64 = tpu.vector_load %arg5[%swap3A_62, %swap3A_63] {strides = array<i32>} : memref<8x128xf32, #tpu.memory_space<vmem>>, vector<16xf32>,
    tpu.vector_store %arg5[%swap3A_62, %swap3A_63], %broadcast_in_dim3A_1 {strides = array<i32>} : memref<8x128xf32, #tpu.memory_space<vmem>>, vector<16xf32>,
    %swap3A_65 = arith.constant 2 : i32
    %swap3A_66 = arith.index_cast %swap3A_65 : i32 to index
    %swap3A_67 = arith.constant 0 : index
    %swap3A_68 = tpu.vector_load %arg5[%swap3A_66, %swap3A_67] {strides = array<i32>} : memref<8x128xf32, #tpu.memory_space<vmem>>, vector<16xf32>,
    tpu.vector_store %arg5[%swap3A_66, %swap3A_67], %broadcast_in_dim3A_1 {strides = array<i32>} : memref<8x128xf32, #tpu.memory_space<vmem>>, vector<16xf32>,
    %swap3A_69 = arith.constant 2 : i32
    %swap3A_70 = arith.index_cast %swap3A_69 : i32 to index
    %swap3A_71 = arith.constant 16 : index
    %swap3A_72 = tpu.vector_load %arg5[%swap3A_70, %swap3A_71] {strides = array<i32>} : memref<8x128xf32, #tpu.memory_space<vmem>>, vector<16xf32>,
    tpu.vector_store %arg5[%swap3A_70, %swap3A_71], %broadcast_in_dim3A_1 {strides = array<i32>} : memref<8x128xf32, #tpu.memory_space<vmem>>, vector<16xf32>,
    %swap3A_73 = arith.constant 2 : i32
    %swap3A_74 = arith.index_cast %swap3A_73 : i32 to index
    %swap3A_75 = arith.constant 32 : index
    %swap3A_76 = tpu.vector_load %arg5[%swap3A_74, %swap3A_75] {strides = array<i32>} : memref<8x128xf32, #tpu.memory_space<vmem>>, vector<16xf32>,
    tpu.vector_store %arg5[%swap3A_74, %swap3A_75], %broadcast_in_dim3A_1 {strides = array<i32>} : memref<8x128xf32, #tpu.memory_space<vmem>>, vector<16xf32>,
    %swap3A_77 = arith.constant 2 : i32
    %swap3A_78 = arith.index_cast %swap3A_77 : i32 to index
    %swap3A_79 = arith.constant 48 : index
    %swap3A_80 = tpu.vector_load %arg5[%swap3A_78, %swap3A_79] {strides = array<i32>} : memref<8x128xf32, #tpu.memory_space<vmem>>, vector<16xf32>,
    tpu.vector_store %arg5[%swap3A_78, %swap3A_79], %broadcast_in_dim3A_1 {strides = array<i32>} : memref<8x128xf32, #tpu.memory_space<vmem>>, vector<16xf32>,
    %swap3A_81 = arith.constant 2 : i32
    %swap3A_82 = arith.index_cast %swap3A_81 : i32 to index
    %swap3A_83 = arith.constant 64 : index
    %swap3A_84 = tpu.vector_load %arg5[%swap3A_82, %swap3A_83] {strides = array<i32>} : memref<8x128xf32, #tpu.memory_space<vmem>>, vector<16xf32>,
    tpu.vector_store %arg5[%swap3A_82, %swap3A_83], %broadcast_in_dim3A_1 {strides = array<i32>} : memref<8x128xf32, #tpu.memory_space<vmem>>, vector<16xf32>,
    %swap3A_85 = arith.constant 2 : i32
    %swap3A_86 = arith.index_cast %swap3A_85 : i32 to index
    %swap3A_87 = arith.constant 80 : index
    %swap3A_88 = tpu.vector_load %arg5[%swap3A_86, %swap3A_87] {strides = array<i32>} : memref<8x128xf32, #tpu.memory_space<vmem>>, vector<16xf32>,
    tpu.vector_store %arg5[%swap3A_86, %swap3A_87], %broadcast_in_dim3A_1 {strides = array<i32>} : memref<8x128xf32, #tpu.memory_space<vmem>>, vector<16xf32>,
    %swap3A_89 = arith.constant 2 : i32
    %swap3A_90 = arith.index_cast %swap3A_89 : i32 to index
    %swap3A_91 = arith.constant 96 : index
    %swap3A_92 = tpu.vector_load %arg5[%swap3A_90, %swap3A_91] {strides = array<i32>} : memref<8x128xf32, #tpu.memory_space<vmem>>, vector<16xf32>,
    tpu.vector_store %arg5[%swap3A_90, %swap3A_91], %broadcast_in_dim3A_1 {strides = array<i32>} : memref<8x128xf32, #tpu.memory_space<vmem>>, vector<16xf32>,
    %swap3A_93 = arith.constant 2 : i32
    %swap3A_94 = arith.index_cast %swap3A_93 : i32 to index
    %swap3A_95 = arith.constant 112 : index
    %swap3A_96 = tpu.vector_load %arg5[%swap3A_94, %swap3A_95] {strides = array<i32>} : memref<8x128xf32, #tpu.memory_space<vmem>>, vector<16xf32>,
    tpu.vector_store %arg5[%swap3A_94, %swap3A_95], %broadcast_in_dim3A_1 {strides = array<i32>} : memref<8x128xf32, #tpu.memory_space<vmem>>, vector<16xf32>,
    %swap3A_97 = arith.constant 3 : i32
    %swap3A_98 = arith.index_cast %swap3A_97 : i32 to index
    %swap3A_99 = arith.constant 0 : index
    %swap3A_100 = tpu.vector_load %arg5[%swap3A_98, %swap3A_99] {strides = array<i32>} : memref<8x128xf32, #tpu.memory_space<vmem>>, vector<16xf32>,
    tpu.vector_store %arg5[%swap3A_98, %swap3A_99], %broadcast_in_dim3A_1 {strides = array<i32>} : memref<8x128xf32, #tpu.memory_space<vmem>>, vector<16xf32>,
    %swap3A_101 = arith.constant 3 : i32
    %swap3A_102 = arith.index_cast %swap3A_101 : i32 to index
    %swap3A_103 = arith.constant 16 : index
    %swap3A_104 = tpu.vector_load %arg5[%swap3A_102, %swap3A_103] {strides = array<i32>} : memref<8x128xf32, #tpu.memory_space<vmem>>, vector<16xf32>,
    tpu.vector_store %arg5[%swap3A_102, %swap3A_103], %broadcast_in_dim3A_1 {strides = array<i32>} : memref<8x128xf32, #tpu.memory_space<vmem>>, vector<16xf32>,
    %swap3A_105 = arith.constant 3 : i32
    %swap3A_106 = arith.index_cast %swap3A_105 : i32 to index
    %swap3A_107 = arith.constant 32 : index
    %swap3A_108 = tpu.vector_load %arg5[%swap3A_106, %swap3A_107] {strides = array<i32>} : memref<8x128xf32, #tpu.memory_space<vmem>>, vector<16xf32>,
    tpu.vector_store %arg5[%swap3A_106, %swap3A_107], %broadcast_in_dim3A_1 {strides = array<i32>} : memref<8x128xf32, #tpu.memory_space<vmem>>, vector<16xf32>,
    %swap3A_109 = arith.constant 3 : i32
    %swap3A_110 = arith.index_cast %swap3A_109 : i32 to index
    %swap3A_111 = arith.constant 48 : index
    %swap3A_112 = tpu.vector_load %arg5[%swap3A_110, %swap3A_111] {strides = array<i32>} : memref<8x128xf32, #tpu.memory_space<vmem>>, vector<16xf32>,
    tpu.vector_store %arg5[%swap3A_110, %swap3A_111], %broadcast_in_dim3A_1 {strides = array<i32>} : memref<8x128xf32, #tpu.memory_space<vmem>>, vector<16xf32>,
    %swap3A_113 = arith.constant 3 : i32
    %swap3A_114 = arith.index_cast %swap3A_113 : i32 to index
    %swap3A_115 = arith.constant 64 : index
    %swap3A_116 = tpu.vector_load %arg5[%swap3A_114, %swap3A_115] {strides = array<i32>} : memref<8x128xf32, #tpu.memory_space<vmem>>, vector<16xf32>,
    tpu.vector_store %arg5[%swap3A_114, %swap3A_115], %broadcast_in_dim3A_1 {strides = array<i32>} : memref<8x128xf32, #tpu.memory_space<vmem>>, vector<16xf32>,
    %swap3A_117 = arith.constant 3 : i32
    %swap3A_118 = arith.index_cast %swap3A_117 : i32 to index
    %swap3A_119 = arith.constant 80 : index
    %swap3A_120 = tpu.vector_load %arg5[%swap3A_118, %swap3A_119] {strides = array<i32>} : memref<8x128xf32, #tpu.memory_space<vmem>>, vector<16xf32>,
    tpu.vector_store %arg5[%swap3A_118, %swap3A_119], %broadcast_in_dim3A_1 {strides = array<i32>} : memref<8x128xf32, #tpu.memory_space<vmem>>, vector<16xf32>,
    %swap3A_121 = arith.constant 3 : i32
    %swap3A_122 = arith.index_cast %swap3A_121 : i32 to index
    %swap3A_123 = arith.constant 96 : index
    %swap3A_124 = tpu.vector_load %arg5[%swap3A_122, %swap3A_123] {strides = array<i32>} : memref<8x128xf32, #tpu.memory_space<vmem>>, vector<16xf32>,
    tpu.vector_store %arg5[%swap3A_122, %swap3A_123], %broadcast_in_dim3A_1 {strides = array<i32>} : memref<8x128xf32, #tpu.memory_space<vmem>>, vector<16xf32>,
    %swap3A_125 = arith.constant 3 : i32
    %swap3A_126 = arith.index_cast %swap3A_125 : i32 to index
    %swap3A_127 = arith.constant 112 : index
    %swap3A_128 = tpu.vector_load %arg5[%swap3A_126, %swap3A_127] {strides = array<i32>} : memref<8x128xf32, #tpu.memory_space<vmem>>, vector<16xf32>,
    tpu.vector_store %arg5[%swap3A_126, %swap3A_127], %broadcast_in_dim3A_1 {strides = array<i32>} : memref<8x128xf32, #tpu.memory_space<vmem>>, vector<16xf32>,
    %swap3A_129 = arith.constant 4 : i32
    %swap3A_130 = arith.index_cast %swap3A_129 : i32 to index
    %swap3A_131 = arith.constant 0 : index
    %swap3A_132 = tpu.vector_load %arg5[%swap3A_130, %swap3A_131] {strides = array<i32>} : memref<8x128xf32, #tpu.memory_space<vmem>>, vector<16xf32>,
    tpu.vector_store %arg5[%swap3A_130, %swap3A_131], %broadcast_in_dim3A_1 {strides = array<i32>} : memref<8x128xf32, #tpu.memory_space<vmem>>, vector<16xf32>,
    %swap3A_133 = arith.constant 4 : i32
    %swap3A_134 = arith.index_cast %swap3A_133 : i32 to index
    %swap3A_135 = arith.constant 16 : index
    %swap3A_136 = tpu.vector_load %arg5[%swap3A_134, %swap3A_135] {strides = array<i32>} : memref<8x128xf32, #tpu.memory_space<vmem>>, vector<16xf32>,
    tpu.vector_store %arg5[%swap3A_134, %swap3A_135], %broadcast_in_dim3A_1 {strides = array<i32>} : memref<8x128xf32, #tpu.memory_space<vmem>>, vector<16xf32>,
    %swap3A_137 = arith.constant 4 : i32
    %swap3A_138 = arith.index_cast %swap3A_137 : i32 to index
    %swap3A_139 = arith.constant 32 : index
    %swap3A_140 = tpu.vector_load %arg5[%swap3A_138, %swap3A_139] {strides = array<i32>} : memref<8x128xf32, #tpu.memory_space<vmem>>, vector<16xf32>,
    tpu.vector_store %arg5[%swap3A_138, %swap3A_139], %broadcast_in_dim3A_1 {strides = array<i32>} : memref<8x128xf32, #tpu.memory_space<vmem>>, vector<16xf32>,
    %swap3A_141 = arith.constant 4 : i32
    %swap3A_142 = arith.index_cast %swap3A_141 : i32 to index
    %swap3A_143 = arith.constant 48 : index
    %swap3A_144 = tpu.vector_load %arg5[%swap3A_142, %swap3A_143] {strides = array<i32>} : memref<8x128xf32, #tpu.memory_space<vmem>>, vector<16xf32>,
    tpu.vector_store %arg5[%swap3A_142, %swap3A_143], %broadcast_in_dim3A_1 {strides = array<i32>} : memref<8x128xf32, #tpu.memory_space<vmem>>, vector<16xf32>,
    %swap3A_145 = arith.constant 4 : i32
    %swap3A_146 = arith.index_cast %swap3A_145 : i32 to index
    %swap3A_147 = arith.constant 64 : index
    %swap3A_148 = tpu.vector_load %arg5[%swap3A_146, %swap3A_147] {strides = array<i32>} : memref<8x128xf32, #tpu.memory_space<vmem>>, vector<16xf32>,
    tpu.vector_store %arg5[%swap3A_146, %swap3A_147], %broadcast_in_dim3A_1 {strides = array<i32>} : memref<8x128xf32, #tpu.memory_space<vmem>>, vector<16xf32>,
    %swap3A_149 = arith.constant 4 : i32
    %swap3A_150 = arith.index_cast %swap3A_149 : i32 to index
    %swap3A_151 = arith.constant 80 : index
    %swap3A_152 = tpu.vector_load %arg5[%swap3A_150, %swap3A_151] {strides = array<i32>} : memref<8x128xf32, #tpu.memory_space<vmem>>, vector<16xf32>,
    tpu.vector_store %arg5[%swap3A_150, %swap3A_151], %broadcast_in_dim3A_1 {strides = array<i32>} : memref<8x128xf32, #tpu.memory_space<vmem>>, vector<16xf32>,
    %swap3A_153 = arith.constant 4 : i32
    %swap3A_154 = arith.index_cast %swap3A_153 : i32 to index
    %swap3A_155 = arith.constant 96 : index
    %swap3A_156 = tpu.vector_load %arg5[%swap3A_154, %swap3A_155] {strides = array<i32>} : memref<8x128xf32, #tpu.memory_space<vmem>>, vector<16xf32>,
    tpu.vector_store %arg5[%swap3A_154, %swap3A_155], %broadcast_in_dim3A_1 {strides = array<i32>} : memref<8x128xf32, #tpu.memory_space<vmem>>, vector<16xf32>,
    %swap3A_157 = arith.constant 4 : i32
    %swap3A_158 = arith.index_cast %swap3A_157 : i32 to index
    %swap3A_159 = arith.constant 112 : index
    %swap3A_160 = tpu.vector_load %arg5[%swap3A_158, %swap3A_159] {strides = array<i32>} : memref<8x128xf32, #tpu.memory_space<vmem>>, vector<16xf32>,
    tpu.vector_store %arg5[%swap3A_158, %swap3A_159], %broadcast_in_dim3A_1 {strides = array<i32>} : memref<8x128xf32, #tpu.memory_space<vmem>>, vector<16xf32>,
    %swap3A_161 = arith.constant 5 : i32
    %swap3A_162 = arith.index_cast %swap3A_161 : i32 to index
    %swap3A_163 = arith.constant 0 : index
    %swap3A_164 = tpu.vector_load %arg5[%swap3A_162, %swap3A_163] {strides = array<i32>} : memref<8x128xf32, #tpu.memory_space<vmem>>, vector<16xf32>,
    tpu.vector_store %arg5[%swap3A_162, %swap3A_163], %broadcast_in_dim3A_1 {strides = array<i32>} : memref<8x128xf32, #tpu.memory_space<vmem>>, vector<16xf32>,
    %swap3A_165 = arith.constant 5 : i32
    %swap3A_166 = arith.index_cast %swap3A_165 : i32 to index
    %swap3A_167 = arith.constant 16 : index
    %swap3A_168 = tpu.vector_load %arg5[%swap3A_166, %swap3A_167] {strides = array<i32>} : memref<8x128xf32, #tpu.memory_space<vmem>>, vector<16xf32>,
    tpu.vector_store %arg5[%swap3A_166, %swap3A_167], %broadcast_in_dim3A_1 {strides = array<i32>} : memref<8x128xf32, #tpu.memory_space<vmem>>, vector<16xf32>,
    %swap3A_169 = arith.constant 5 : i32
    %swap3A_170 = arith.index_cast %swap3A_169 : i32 to index
    %swap3A_171 = arith.constant 32 : index
    %swap3A_172 = tpu.vector_load %arg5[%swap3A_170, %swap3A_171] {strides = array<i32>} : memref<8x128xf32, #tpu.memory_space<vmem>>, vector<16xf32>,
    tpu.vector_store %arg5[%swap3A_170, %swap3A_171], %broadcast_in_dim3A_1 {strides = array<i32>} : memref<8x128xf32, #tpu.memory_space<vmem>>, vector<16xf32>,
    %swap3A_173 = arith.constant 5 : i32
    %swap3A_174 = arith.index_cast %swap3A_173 : i32 to index
    %swap3A_175 = arith.constant 48 : index
    %swap3A_176 = tpu.vector_load %arg5[%swap3A_174, %swap3A_175] {strides = array<i32>} : memref<8x128xf32, #tpu.memory_space<vmem>>, vector<16xf32>,
    tpu.vector_store %arg5[%swap3A_174, %swap3A_175], %broadcast_in_dim3A_1 {strides = array<i32>} : memref<8x128xf32, #tpu.memory_space<vmem>>, vector<16xf32>,
    %swap3A_177 = arith.constant 5 : i32
    %swap3A_178 = arith.index_cast %swap3A_177 : i32 to index
    %swap3A_179 = arith.constant 64 : index
    %swap3A_180 = tpu.vector_load %arg5[%swap3A_178, %swap3A_179] {strides = array<i32>} : memref<8x128xf32, #tpu.memory_space<vmem>>, vector<16xf32>,
    tpu.vector_store %arg5[%swap3A_178, %swap3A_179], %broadcast_in_dim3A_1 {strides = array<i32>} : memref<8x128xf32, #tpu.memory_space<vmem>>, vector<16xf32>,
    %swap3A_181 = arith.constant 5 : i32
    %swap3A_182 = arith.index_cast %swap3A_181 : i32 to index
    %swap3A_183 = arith.constant 80 : index
    %swap3A_184 = tpu.vector_load %arg5[%swap3A_182, %swap3A_183] {strides = array<i32>} : memref<8x128xf32, #tpu.memory_space<vmem>>, vector<16xf32>,
    tpu.vector_store %arg5[%swap3A_182, %swap3A_183], %broadcast_in_dim3A_1 {strides = array<i32>} : memref<8x128xf32, #tpu.memory_space<vmem>>, vector<16xf32>,
    %swap3A_185 = arith.constant 5 : i32
    %swap3A_186 = arith.index_cast %swap3A_185 : i32 to index
    %swap3A_187 = arith.constant 96 : index
    %swap3A_188 = tpu.vector_load %arg5[%swap3A_186, %swap3A_187] {strides = array<i32>} : memref<8x128xf32, #tpu.memory_space<vmem>>, vector<16xf32>,
    tpu.vector_store %arg5[%swap3A_186, %swap3A_187], %broadcast_in_dim3A_1 {strides = array<i32>} : memref<8x128xf32, #tpu.memory_space<vmem>>, vector<16xf32>,
    %swap3A_189 = arith.constant 5 : i32
    %swap3A_190 = arith.index_cast %swap3A_189 : i32 to index
    %swap3A_191 = arith.constant 112 : index
    %swap3A_192 = tpu.vector_load %arg5[%swap3A_190, %swap3A_191] {strides = array<i32>} : memref<8x128xf32, #tpu.memory_space<vmem>>, vector<16xf32>,
    tpu.vector_store %arg5[%swap3A_190, %swap3A_191], %broadcast_in_dim3A_1 {strides = array<i32>} : memref<8x128xf32, #tpu.memory_space<vmem>>, vector<16xf32>,
    %swap3A_193 = arith.constant 6 : i32
    %swap3A_194 = arith.index_cast %swap3A_193 : i32 to index
    %swap3A_195 = arith.constant 0 : index
    %swap3A_196 = tpu.vector_load %arg5[%swap3A_194, %swap3A_195] {strides = array<i32>} : memref<8x128xf32, #tpu.memory_space<vmem>>, vector<16xf32>,
    tpu.vector_store %arg5[%swap3A_194, %swap3A_195], %broadcast_in_dim3A_1 {strides = array<i32>} : memref<8x128xf32, #tpu.memory_space<vmem>>, vector<16xf32>,
    %swap3A_197 = arith.constant 6 : i32
    %swap3A_198 = arith.index_cast %swap3A_197 : i32 to index
    %swap3A_199 = arith.constant 16 : index
    %swap3A_200 = tpu.vector_load %arg5[%swap3A_198, %swap3A_199] {strides = array<i32>} : memref<8x128xf32, #tpu.memory_space<vmem>>, vector<16xf32>,
    tpu.vector_store %arg5[%swap3A_198, %swap3A_199], %broadcast_in_dim3A_1 {strides = array<i32>} : memref<8x128xf32, #tpu.memory_space<vmem>>, vector<16xf32>,
    %swap3A_201 = arith.constant 6 : i32
    %swap3A_202 = arith.index_cast %swap3A_201 : i32 to index
    %swap3A_203 = arith.constant 32 : index
    %swap3A_204 = tpu.vector_load %arg5[%swap3A_202, %swap3A_203] {strides = array<i32>} : memref<8x128xf32, #tpu.memory_space<vmem>>, vector<16xf32>,
    tpu.vector_store %arg5[%swap3A_202, %swap3A_203], %broadcast_in_dim3A_1 {strides = array<i32>} : memref<8x128xf32, #tpu.memory_space<vmem>>, vector<16xf32>,
    %swap3A_205 = arith.constant 6 : i32
    %swap3A_206 = arith.index_cast %swap3A_205 : i32 to index
    %swap3A_207 = arith.constant 48 : index
    %swap3A_208 = tpu.vector_load %arg5[%swap3A_206, %swap3A_207] {strides = array<i32>} : memref<8x128xf32, #tpu.memory_space<vmem>>, vector<16xf32>,
    tpu.vector_store %arg5[%swap3A_206, %swap3A_207], %broadcast_in_dim3A_1 {strides = array<i32>} : memref<8x128xf32, #tpu.memory_space<vmem>>, vector<16xf32>,
    %swap3A_209 = arith.constant 6 : i32
    %swap3A_210 = arith.index_cast %swap3A_209 : i32 to index
    %swap3A_211 = arith.constant 64 : index
    %swap3A_212 = tpu.vector_load %arg5[%swap3A_210, %swap3A_211] {strides = array<i32>} : memref<8x128xf32, #tpu.memory_space<vmem>>, vector<16xf32>,
    tpu.vector_store %arg5[%swap3A_210, %swap3A_211], %broadcast_in_dim3A_1 {strides = array<i32>} : memref<8x128xf32, #tpu.memory_space<vmem>>, vector<16xf32>,
    %swap3A_213 = arith.constant 6 : i32
    %swap3A_214 = arith.index_cast %swap3A_213 : i32 to index
    %swap3A_215 = arith.constant 80 : index
    %swap3A_216 = tpu.vector_load %arg5[%swap3A_214, %swap3A_215] {strides = array<i32>} : memref<8x128xf32, #tpu.memory_space<vmem>>, vector<16xf32>,
    tpu.vector_store %arg5[%swap3A_214, %swap3A_215], %broadcast_in_dim3A_1 {strides = array<i32>} : memref<8x128xf32, #tpu.memory_space<vmem>>, vector<16xf32>,
    %swap3A_217 = arith.constant 6 : i32
    %swap3A_218 = arith.index_cast %swap3A_217 : i32 to index
    %swap3A_219 = arith.constant 96 : index
    %swap3A_220 = tpu.vector_load %arg5[%swap3A_218, %swap3A_219] {strides = array<i32>} : memref<8x128xf32, #tpu.memory_space<vmem>>, vector<16xf32>,
    tpu.vector_store %arg5[%swap3A_218, %swap3A_219], %broadcast_in_dim3A_1 {strides = array<i32>} : memref<8x128xf32, #tpu.memory_space<vmem>>, vector<16xf32>,
    %swap3A_221 = arith.constant 6 : i32
    %swap3A_222 = arith.index_cast %swap3A_221 : i32 to index
    %swap3A_223 = arith.constant 112 : index
    %swap3A_224 = tpu.vector_load %arg5[%swap3A_222, %swap3A_223] {strides = array<i32>} : memref<8x128xf32, #tpu.memory_space<vmem>>, vector<16xf32>,
    tpu.vector_store %arg5[%swap3A_222, %swap3A_223], %broadcast_in_dim3A_1 {strides = array<i32>} : memref<8x128xf32, #tpu.memory_space<vmem>>, vector<16xf32>,
    %swap3A_225 = arith.constant 7 : i32
    %swap3A_226 = arith.index_cast %swap3A_225 : i32 to index
    %swap3A_227 = arith.constant 0 : index
    %swap3A_228 = tpu.vector_load %arg5[%swap3A_226, %swap3A_227] {strides = array<i32>} : memref<8x128xf32, #tpu.memory_space<vmem>>, vector<16xf32>,
    tpu.vector_store %arg5[%swap3A_226, %swap3A_227], %broadcast_in_dim3A_1 {strides = array<i32>} : memref<8x128xf32, #tpu.memory_space<vmem>>, vector<16xf32>,
    %swap3A_229 = arith.constant 7 : i32
    %swap3A_230 = arith.index_cast %swap3A_229 : i32 to index
    %swap3A_231 = arith.constant 16 : index
    %swap3A_232 = tpu.vector_load %arg5[%swap3A_230, %swap3A_231] {strides = array<i32>} : memref<8x128xf32, #tpu.memory_space<vmem>>, vector<16xf32>,
    tpu.vector_store %arg5[%swap3A_230, %swap3A_231], %broadcast_in_dim3A_1 {strides = array<i32>} : memref<8x128xf32, #tpu.memory_space<vmem>>, vector<16xf32>,
    %swap3A_233 = arith.constant 7 : i32
    %swap3A_234 = arith.index_cast %swap3A_233 : i32 to index
    %swap3A_235 = arith.constant 32 : index
    %swap3A_236 = tpu.vector_load %arg5[%swap3A_234, %swap3A_235] {strides = array<i32>} : memref<8x128xf32, #tpu.memory_space<vmem>>, vector<16xf32>,
    tpu.vector_store %arg5[%swap3A_234, %swap3A_235], %broadcast_in_dim3A_1 {strides = array<i32>} : memref<8x128xf32, #tpu.memory_space<vmem>>, vector<16xf32>,
    %swap3A_237 = arith.constant 7 : i32
    %swap3A_238 = arith.index_cast %swap3A_237 : i32 to index
    %swap3A_239 = arith.constant 48 : index
    %swap3A_240 = tpu.vector_load %arg5[%swap3A_238, %swap3A_239] {strides = array<i32>} : memref<8x128xf32, #tpu.memory_space<vmem>>, vector<16xf32>,
    tpu.vector_store %arg5[%swap3A_238, %swap3A_239], %broadcast_in_dim3A_1 {strides = array<i32>} : memref<8x128xf32, #tpu.memory_space<vmem>>, vector<16xf32>,
    %swap3A_241 = arith.constant 7 : i32
    %swap3A_242 = arith.index_cast %swap3A_241 : i32 to index
    %swap3A_243 = arith.constant 64 : index
    %swap3A_244 = tpu.vector_load %arg5[%swap3A_242, %swap3A_243] {strides = array<i32>} : memref<8x128xf32, #tpu.memory_space<vmem>>, vector<16xf32>,
    tpu.vector_store %arg5[%swap3A_242, %swap3A_243], %broadcast_in_dim3A_1 {strides = array<i32>} : memref<8x128xf32, #tpu.memory_space<vmem>>, vector<16xf32>,
    %swap3A_245 = arith.constant 7 : i32
    %swap3A_246 = arith.index_cast %swap3A_245 : i32 to index
    %swap3A_247 = arith.constant 80 : index
    %swap3A_248 = tpu.vector_load %arg5[%swap3A_246, %swap3A_247] {strides = array<i32>} : memref<8x128xf32, #tpu.memory_space<vmem>>, vector<16xf32>,
    tpu.vector_store %arg5[%swap3A_246, %swap3A_247], %broadcast_in_dim3A_1 {strides = array<i32>} : memref<8x128xf32, #tpu.memory_space<vmem>>, vector<16xf32>,
    %swap3A_249 = arith.constant 7 : i32
    %swap3A_250 = arith.index_cast %swap3A_249 : i32 to index
    %swap3A_251 = arith.constant 96 : index
    %swap3A_252 = tpu.vector_load %arg5[%swap3A_250, %swap3A_251] {strides = array<i32>} : memref<8x128xf32, #tpu.memory_space<vmem>>, vector<16xf32>,
    tpu.vector_store %arg5[%swap3A_250, %swap3A_251], %broadcast_in_dim3A_1 {strides = array<i32>} : memref<8x128xf32, #tpu.memory_space<vmem>>, vector<16xf32>,
    %swap3A_253 = arith.constant 7 : i32
    %swap3A_254 = arith.index_cast %swap3A_253 : i32 to index
    %swap3A_255 = arith.constant 112 : index
    %swap3A_256 = tpu.vector_load %arg5[%swap3A_254, %swap3A_255] {strides = array<i32>} : memref<8x128xf32, #tpu.memory_space<vmem>>, vector<16xf32>,
    tpu.vector_store %arg5[%swap3A_254, %swap3A_255], %broadcast_in_dim3A_1 {strides = array<i32>} : memref<8x128xf32, #tpu.memory_space<vmem>>, vector<16xf32>,
    %scan3A = arith.constant 0 : i32
    %scan3A_257 = arith.constant 0 : i32
    %scan3A_258 = arith.constant 32 : i32
    %scan3A_259 = arith.addi %scan3A_257, %scan3A_258 : i32
    %scan3A_260 = arith.constant 1 : i32
    scf.for %scan3A_901 = %scan3A_257 to %scan3A_259 step %scan3A_260  : i32 {
      %mul3A_902 = arith.constant 256 : i32
      %mul3A_903 = arith.muli %scan3A_901, %mul3A_902 : i32
      "tpu.region"() ({
        %run_scoped3A = tpu.sem_alloc : memref<!tpu.dma_semaphore, #tpu.memory_space<semaphore_mem>>
        %dma_start3A = arith.constant 0 : i32
        %dma_start3A_1464 = tpu.memref_slice %arg2[%add3A, %mul3A_903, %dma_start3A] : memref<32x8192x128xf32, #tpu.memory_space<hbm>> -> memref<1x256x128xf32, #tpu.memory_space<hbm>>
        %dma_start3A_1465 = tpu.memref_squeeze %dma_start3A_1464 : memref<1x256x128xf32, #tpu.memory_space<hbm>> -> memref<256x128xf32, #tpu.memory_space<hbm>>
        %dma_start3A_1466 = arith.constant 0 : i32
        %dma_start3A_1467 = tpu.memref_slice %arg2[%add3A, %mul3A_903, %dma_start3A_1466] : memref<32x8192x128xf32, #tpu.memory_space<hbm>> -> memref<1x256x128xf32, #tpu.memory_space<hbm>>
        %dma_start3A_1468 = tpu.memref_squeeze %dma_start3A_1467 : memref<1x256x128xf32, #tpu.memory_space<hbm>> -> memref<256x128xf32, #tpu.memory_space<hbm>>
        tpu.enqueue_dma source(%dma_start3A_1468 : memref<256x128xf32, #tpu.memory_space<hbm>>) target(%arg4 : memref<256x128xf32, #tpu.memory_space<vmem>>) target_semaphore(%run_scoped3A : memref<!tpu.dma_semaphore, #tpu.memory_space<semaphore_mem>>)
        %dma_wait3A = arith.constant 0 : i32
        %dma_wait3A_1469 = tpu.memref_slice %arg2[%add3A, %mul3A_903, %dma_wait3A] : memref<32x8192x128xf32, #tpu.memory_space<hbm>> -> memref<1x256x128xf32, #tpu.memory_space<hbm>>
        %dma_wait3A_1470 = tpu.memref_squeeze %dma_wait3A_1469 : memref<1x256x128xf32, #tpu.memory_space<hbm>> -> memref<256x128xf32, #tpu.memory_space<hbm>>
        %dma_wait3A_1471 = arith.constant 0 : i32
        %dma_wait3A_1472 = tpu.memref_slice %arg2[%add3A, %mul3A_903, %dma_wait3A_1471] : memref<32x8192x128xf32, #tpu.memory_space<hbm>> -> memref<1x256x128xf32, #tpu.memory_space<hbm>>
        %dma_wait3A_1473 = tpu.memref_squeeze %dma_wait3A_1472 : memref<1x256x128xf32, #tpu.memory_space<hbm>> -> memref<256x128xf32, #tpu.memory_space<hbm>>
        tpu.wait_dma2 semaphore(%run_scoped3A : memref<!tpu.dma_semaphore, #tpu.memory_space<semaphore_mem>>) src(%dma_wait3A_1473 : memref<256x128xf32, #tpu.memory_space<hbm>>) dst(%arg4 : memref<256x128xf32, #tpu.memory_space<vmem>>)
        tpu.yield
      }) : () -> ()
      %get3A_904 = arith.constant 0 : i32
      %get3A_905 = arith.index_cast %get3A_904 : i32 to index
      %get3A_906 = arith.constant 0 : index
      %get3A_907 = tpu.vector_load %arg5[%get3A_905, %get3A_906] {strides = array<i32>} : memref<8x128xf32, #tpu.memory_space<vmem>>, vector<16xf32>,
      %get3A_908 = arith.constant 1 : i32
      %get3A_909 = arith.index_cast %get3A_908 : i32 to index
      %get3A_910 = arith.constant 0 : index
      %get3A_911 = tpu.vector_load %arg5[%get3A_909, %get3A_910] {strides = array<i32>} : memref<8x128xf32, #tpu.memory_space<vmem>>, vector<16xf32>,
      %get3A_912 = arith.constant 2 : i32
      %get3A_913 = arith.index_cast %get3A_912 : i32 to index
      %get3A_914 = arith.constant 0 : index
      %get3A_915 = tpu.vector_load %arg5[%get3A_913, %get3A_914] {strides = array<i32>} : memref<8x128xf32, #tpu.memory_space<vmem>>, vector<16xf32>,
      %get3A_916 = arith.constant 3 : i32
      %get3A_917 = arith.index_cast %get3A_916 : i32 to index
      %get3A_918 = arith.constant 0 : index
      %get3A_919 = tpu.vector_load %arg5[%get3A_917, %get3A_918] {strides = array<i32>} : memref<8x128xf32, #tpu.memory_space<vmem>>, vector<16xf32>,
      %get3A_920 = arith.constant 4 : i32
      %get3A_921 = arith.index_cast %get3A_920 : i32 to index
      %get3A_922 = arith.constant 0 : index
      %get3A_923 = tpu.vector_load %arg5[%get3A_921, %get3A_922] {strides = array<i32>} : memref<8x128xf32, #tpu.memory_space<vmem>>, vector<16xf32>,
      %get3A_924 = arith.constant 5 : i32
      %get3A_925 = arith.index_cast %get3A_924 : i32 to index
      %get3A_926 = arith.constant 0 : index
      %get3A_927 = tpu.vector_load %arg5[%get3A_925, %get3A_926] {strides = array<i32>} : memref<8x128xf32, #tpu.memory_space<vmem>>, vector<16xf32>,
      %get3A_928 = arith.constant 6 : i32
      %get3A_929 = arith.index_cast %get3A_928 : i32 to index
      %get3A_930 = arith.constant 0 : index
      %get3A_931 = tpu.vector_load %arg5[%get3A_929, %get3A_930] {strides = array<i32>} : memref<8x128xf32, #tpu.memory_space<vmem>>, vector<16xf32>,
      %get3A_932 = arith.constant 7 : i32
      %get3A_933 = arith.index_cast %get3A_932 : i32 to index
      %get3A_934 = arith.constant 0 : index
      %get3A_935 = tpu.vector_load %arg5[%get3A_933, %get3A_934] {strides = array<i32>} : memref<8x128xf32, #tpu.memory_space<vmem>>, vector<16xf32>,
      %scan3A_936 = arith.constant 0 : i32
      %scan3A_937 = arith.constant 256 : i32
      %scan3A_938 = arith.addi %scan3A_936, %scan3A_937 : i32
      %scan3A_939 = arith.constant 1 : i32
      %scan3A_940:8 = scf.for %scan3A_1464 = %scan3A_936 to %scan3A_938 step %scan3A_939 iter_args(%scan3A_1465 = %get3A_907, %scan3A_1466 = %get3A_911, %scan3A_1467 = %get3A_915, %scan3A_1468 = %get3A_919, %scan3A_1469 = %get3A_923, %scan3A_1470 = %get3A_927, %scan3A_1471 = %get3A_931, %scan3A_1472 = %get3A_935) -> (vector<16xf32>, vector<16xf32>, vector<16xf32>, vector<16xf32>, vector<16xf32>, vector<16xf32>, vector<16xf32>, vector<16xf32>)  : i32 {
        %get3A_1473 = arith.index_cast %scan3A_1464 : i32 to index
        %get3A_1474 = arith.constant 0 : index
        %get3A_1475 = tpu.vector_load %arg4[%get3A_1473, %get3A_1474] {strides = array<i32>} : memref<256x128xf32, #tpu.memory_space<vmem>>, vector<16xf32>,
        %max3A = arith.maximumf %scan3A_1465, %get3A_1475 : vector<16xf32>
        %min3A = arith.minimumf %scan3A_1465, %get3A_1475 : vector<16xf32>
        %max3A_1476 = arith.maximumf %scan3A_1466, %min3A : vector<16xf32>
        %min3A_1477 = arith.minimumf %scan3A_1466, %min3A : vector<16xf32>
        %max3A_1478 = arith.maximumf %scan3A_1467, %min3A_1477 : vector<16xf32>
        %min3A_1479 = arith.minimumf %scan3A_1467, %min3A_1477 : vector<16xf32>
        %max3A_1480 = arith.maximumf %scan3A_1468, %min3A_1479 : vector<16xf32>
        %min3A_1481 = arith.minimumf %scan3A_1468, %min3A_1479 : vector<16xf32>
        %max3A_1482 = arith.maximumf %scan3A_1469, %min3A_1481 : vector<16xf32>
        %min3A_1483 = arith.minimumf %scan3A_1469, %min3A_1481 : vector<16xf32>
        %max3A_1484 = arith.maximumf %scan3A_1470, %min3A_1483 : vector<16xf32>
        %min3A_1485 = arith.minimumf %scan3A_1470, %min3A_1483 : vector<16xf32>
        %max3A_1486 = arith.maximumf %scan3A_1471, %min3A_1485 : vector<16xf32>
        %min3A_1487 = arith.minimumf %scan3A_1471, %min3A_1485 : vector<16xf32>
        %max3A_1488 = arith.maximumf %scan3A_1472, %min3A_1487 : vector<16xf32>
        %min3A_1489 = arith.minimumf %scan3A_1472, %min3A_1487 : vector<16xf32>
        scf.yield %max3A, %max3A_1476, %max3A_1478, %max3A_1480, %max3A_1482, %max3A_1484, %max3A_1486, %max3A_1488 : vector<16xf32>, vector<16xf32>, vector<16xf32>, vector<16xf32>, vector<16xf32>, vector<16xf32>, vector<16xf32>, vector<16xf32>
      }
      %scan3A_941 = arith.constant 256 : i32
      %swap3A_942 = arith.constant 0 : i32
      %swap3A_943 = arith.index_cast %swap3A_942 : i32 to index
      %swap3A_944 = arith.constant 0 : index
      %swap3A_945 = tpu.vector_load %arg5[%swap3A_943, %swap3A_944] {strides = array<i32>} : memref<8x128xf32, #tpu.memory_space<vmem>>, vector<16xf32>,
      tpu.vector_store %arg5[%swap3A_943, %swap3A_944], %scan3A_940#0 {strides = array<i32>} : memref<8x128xf32, #tpu.memory_space<vmem>>, vector<16xf32>,
      %swap3A_946 = arith.constant 1 : i32
      %swap3A_947 = arith.index_cast %swap3A_946 : i32 to index
      %swap3A_948 = arith.constant 0 : index
      %swap3A_949 = tpu.vector_load %arg5[%swap3A_947, %swap3A_948] {strides = array<i32>} : memref<8x128xf32, #tpu.memory_space<vmem>>, vector<16xf32>,
      tpu.vector_store %arg5[%swap3A_947, %swap3A_948], %scan3A_940#1 {strides = array<i32>} : memref<8x128xf32, #tpu.memory_space<vmem>>, vector<16xf32>,
      %swap3A_950 = arith.constant 2 : i32
      %swap3A_951 = arith.index_cast %swap3A_950 : i32 to index
      %swap3A_952 = arith.constant 0 : index
      %swap3A_953 = tpu.vector_load %arg5[%swap3A_951, %swap3A_952] {strides = array<i32>} : memref<8x128xf32, #tpu.memory_space<vmem>>, vector<16xf32>,
      tpu.vector_store %arg5[%swap3A_951, %swap3A_952], %scan3A_940#2 {strides = array<i32>} : memref<8x128xf32, #tpu.memory_space<vmem>>, vector<16xf32>,
      %swap3A_954 = arith.constant 3 : i32
      %swap3A_955 = arith.index_cast %swap3A_954 : i32 to index
      %swap3A_956 = arith.constant 0 : index
      %swap3A_957 = tpu.vector_load %arg5[%swap3A_955, %swap3A_956] {strides = array<i32>} : memref<8x128xf32, #tpu.memory_space<vmem>>, vector<16xf32>,
      tpu.vector_store %arg5[%swap3A_955, %swap3A_956], %scan3A_940#3 {strides = array<i32>} : memref<8x128xf32, #tpu.memory_space<vmem>>, vector<16xf32>,
      %swap3A_958 = arith.constant 4 : i32
      %swap3A_959 = arith.index_cast %swap3A_958 : i32 to index
      %swap3A_960 = arith.constant 0 : index
      %swap3A_961 = tpu.vector_load %arg5[%swap3A_959, %swap3A_960] {strides = array<i32>} : memref<8x128xf32, #tpu.memory_space<vmem>>, vector<16xf32>,
      tpu.vector_store %arg5[%swap3A_959, %swap3A_960], %scan3A_940#4 {strides = array<i32>} : memref<8x128xf32, #tpu.memory_space<vmem>>, vector<16xf32>,
      %swap3A_962 = arith.constant 5 : i32
      %swap3A_963 = arith.index_cast %swap3A_962 : i32 to index
      %swap3A_964 = arith.constant 0 : index
      %swap3A_965 = tpu.vector_load %arg5[%swap3A_963, %swap3A_964] {strides = array<i32>} : memref<8x128xf32, #tpu.memory_space<vmem>>, vector<16xf32>,
      tpu.vector_store %arg5[%swap3A_963, %swap3A_964], %scan3A_940#5 {strides = array<i32>} : memref<8x128xf32, #tpu.memory_space<vmem>>, vector<16xf32>,
      %swap3A_966 = arith.constant 6 : i32
      %swap3A_967 = arith.index_cast %swap3A_966 : i32 to index
      %swap3A_968 = arith.constant 0 : index
      %swap3A_969 = tpu.vector_load %arg5[%swap3A_967, %swap3A_968] {strides = array<i32>} : memref<8x128xf32, #tpu.memory_space<vmem>>, vector<16xf32>,
      tpu.vector_store %arg5[%swap3A_967, %swap3A_968], %scan3A_940#6 {strides = array<i32>} : memref<8x128xf32, #tpu.memory_space<vmem>>, vector<16xf32>,
      %swap3A_970 = arith.constant 7 : i32
      %swap3A_971 = arith.index_cast %swap3A_970 : i32 to index
      %swap3A_972 = arith.constant 0 : index
      %swap3A_973 = tpu.vector_load %arg5[%swap3A_971, %swap3A_972] {strides = array<i32>} : memref<8x128xf32, #tpu.memory_space<vmem>>, vector<16xf32>,
      tpu.vector_store %arg5[%swap3A_971, %swap3A_972], %scan3A_940#7 {strides = array<i32>} : memref<8x128xf32, #tpu.memory_space<vmem>>, vector<16xf32>,
      %get3A_974 = arith.constant 0 : i32
      %get3A_975 = arith.index_cast %get3A_974 : i32 to index
      %get3A_976 = arith.constant 16 : index
      %get3A_977 = tpu.vector_load %arg5[%get3A_975, %get3A_976] {strides = array<i32>} : memref<8x128xf32, #tpu.memory_space<vmem>>, vector<16xf32>,
      %get3A_978 = arith.constant 1 : i32
      %get3A_979 = arith.index_cast %get3A_978 : i32 to index
      %get3A_980 = arith.constant 16 : index
      %get3A_981 = tpu.vector_load %arg5[%get3A_979, %get3A_980] {strides = array<i32>} : memref<8x128xf32, #tpu.memory_space<vmem>>, vector<16xf32>,
      %get3A_982 = arith.constant 2 : i32
      %get3A_983 = arith.index_cast %get3A_982 : i32 to index
      %get3A_984 = arith.constant 16 : index
      %get3A_985 = tpu.vector_load %arg5[%get3A_983, %get3A_984] {strides = array<i32>} : memref<8x128xf32, #tpu.memory_space<vmem>>, vector<16xf32>,
      %get3A_986 = arith.constant 3 : i32
      %get3A_987 = arith.index_cast %get3A_986 : i32 to index
      %get3A_988 = arith.constant 16 : index
      %get3A_989 = tpu.vector_load %arg5[%get3A_987, %get3A_988] {strides = array<i32>} : memref<8x128xf32, #tpu.memory_space<vmem>>, vector<16xf32>,
      %get3A_990 = arith.constant 4 : i32
      %get3A_991 = arith.index_cast %get3A_990 : i32 to index
      %get3A_992 = arith.constant 16 : index
      %get3A_993 = tpu.vector_load %arg5[%get3A_991, %get3A_992] {strides = array<i32>} : memref<8x128xf32, #tpu.memory_space<vmem>>, vector<16xf32>,
      %get3A_994 = arith.constant 5 : i32
      %get3A_995 = arith.index_cast %get3A_994 : i32 to index
      %get3A_996 = arith.constant 16 : index
      %get3A_997 = tpu.vector_load %arg5[%get3A_995, %get3A_996] {strides = array<i32>} : memref<8x128xf32, #tpu.memory_space<vmem>>, vector<16xf32>,
      %get3A_998 = arith.constant 6 : i32
      %get3A_999 = arith.index_cast %get3A_998 : i32 to index
      %get3A_1000 = arith.constant 16 : index
      %get3A_1001 = tpu.vector_load %arg5[%get3A_999, %get3A_1000] {strides = array<i32>} : memref<8x128xf32, #tpu.memory_space<vmem>>, vector<16xf32>,
      %get3A_1002 = arith.constant 7 : i32
      %get3A_1003 = arith.index_cast %get3A_1002 : i32 to index
      %get3A_1004 = arith.constant 16 : index
      %get3A_1005 = tpu.vector_load %arg5[%get3A_1003, %get3A_1004] {strides = array<i32>} : memref<8x128xf32, #tpu.memory_space<vmem>>, vector<16xf32>,
      %scan3A_1006 = arith.constant 0 : i32
      %scan3A_1007 = arith.constant 256 : i32
      %scan3A_1008 = arith.addi %scan3A_1006, %scan3A_1007 : i32
      %scan3A_1009 = arith.constant 1 : i32
      %scan3A_1010:8 = scf.for %scan3A_1464 = %scan3A_1006 to %scan3A_1008 step %scan3A_1009 iter_args(%scan3A_1465 = %get3A_977, %scan3A_1466 = %get3A_981, %scan3A_1467 = %get3A_985, %scan3A_1468 = %get3A_989, %scan3A_1469 = %get3A_993, %scan3A_1470 = %get3A_997, %scan3A_1471 = %get3A_1001, %scan3A_1472 = %get3A_1005) -> (vector<16xf32>, vector<16xf32>, vector<16xf32>, vector<16xf32>, vector<16xf32>, vector<16xf32>, vector<16xf32>, vector<16xf32>)  : i32 {
        %get3A_1473 = arith.index_cast %scan3A_1464 : i32 to index
        %get3A_1474 = arith.constant 16 : index
        %get3A_1475 = tpu.vector_load %arg4[%get3A_1473, %get3A_1474] {strides = array<i32>} : memref<256x128xf32, #tpu.memory_space<vmem>>, vector<16xf32>,
        %max3A = arith.maximumf %scan3A_1465, %get3A_1475 : vector<16xf32>
        %min3A = arith.minimumf %scan3A_1465, %get3A_1475 : vector<16xf32>
        %max3A_1476 = arith.maximumf %scan3A_1466, %min3A : vector<16xf32>
        %min3A_1477 = arith.minimumf %scan3A_1466, %min3A : vector<16xf32>
        %max3A_1478 = arith.maximumf %scan3A_1467, %min3A_1477 : vector<16xf32>
        %min3A_1479 = arith.minimumf %scan3A_1467, %min3A_1477 : vector<16xf32>
        %max3A_1480 = arith.maximumf %scan3A_1468, %min3A_1479 : vector<16xf32>
        %min3A_1481 = arith.minimumf %scan3A_1468, %min3A_1479 : vector<16xf32>
        %max3A_1482 = arith.maximumf %scan3A_1469, %min3A_1481 : vector<16xf32>
        %min3A_1483 = arith.minimumf %scan3A_1469, %min3A_1481 : vector<16xf32>
        %max3A_1484 = arith.maximumf %scan3A_1470, %min3A_1483 : vector<16xf32>
        %min3A_1485 = arith.minimumf %scan3A_1470, %min3A_1483 : vector<16xf32>
        %max3A_1486 = arith.maximumf %scan3A_1471, %min3A_1485 : vector<16xf32>
        %min3A_1487 = arith.minimumf %scan3A_1471, %min3A_1485 : vector<16xf32>
        %max3A_1488 = arith.maximumf %scan3A_1472, %min3A_1487 : vector<16xf32>
        %min3A_1489 = arith.minimumf %scan3A_1472, %min3A_1487 : vector<16xf32>
        scf.yield %max3A, %max3A_1476, %max3A_1478, %max3A_1480, %max3A_1482, %max3A_1484, %max3A_1486, %max3A_1488 : vector<16xf32>, vector<16xf32>, vector<16xf32>, vector<16xf32>, vector<16xf32>, vector<16xf32>, vector<16xf32>, vector<16xf32>
      }
      %scan3A_1011 = arith.constant 256 : i32
      %swap3A_1012 = arith.constant 0 : i32
      %swap3A_1013 = arith.index_cast %swap3A_1012 : i32 to index
      %swap3A_1014 = arith.constant 16 : index
      %swap3A_1015 = tpu.vector_load %arg5[%swap3A_1013, %swap3A_1014] {strides = array<i32>} : memref<8x128xf32, #tpu.memory_space<vmem>>, vector<16xf32>,
      tpu.vector_store %arg5[%swap3A_1013, %swap3A_1014], %scan3A_1010#0 {strides = array<i32>} : memref<8x128xf32, #tpu.memory_space<vmem>>, vector<16xf32>,
      %swap3A_1016 = arith.constant 1 : i32
      %swap3A_1017 = arith.index_cast %swap3A_1016 : i32 to index
      %swap3A_1018 = arith.constant 16 : index
      %swap3A_1019 = tpu.vector_load %arg5[%swap3A_1017, %swap3A_1018] {strides = array<i32>} : memref<8x128xf32, #tpu.memory_space<vmem>>, vector<16xf32>,
      tpu.vector_store %arg5[%swap3A_1017, %swap3A_1018], %scan3A_1010#1 {strides = array<i32>} : memref<8x128xf32, #tpu.memory_space<vmem>>, vector<16xf32>,
      %swap3A_1020 = arith.constant 2 : i32
      %swap3A_1021 = arith.index_cast %swap3A_1020 : i32 to index
      %swap3A_1022 = arith.constant 16 : index
      %swap3A_1023 = tpu.vector_load %arg5[%swap3A_1021, %swap3A_1022] {strides = array<i32>} : memref<8x128xf32, #tpu.memory_space<vmem>>, vector<16xf32>,
      tpu.vector_store %arg5[%swap3A_1021, %swap3A_1022], %scan3A_1010#2 {strides = array<i32>} : memref<8x128xf32, #tpu.memory_space<vmem>>, vector<16xf32>,
      %swap3A_1024 = arith.constant 3 : i32
      %swap3A_1025 = arith.index_cast %swap3A_1024 : i32 to index
      %swap3A_1026 = arith.constant 16 : index
      %swap3A_1027 = tpu.vector_load %arg5[%swap3A_1025, %swap3A_1026] {strides = array<i32>} : memref<8x128xf32, #tpu.memory_space<vmem>>, vector<16xf32>,
      tpu.vector_store %arg5[%swap3A_1025, %swap3A_1026], %scan3A_1010#3 {strides = array<i32>} : memref<8x128xf32, #tpu.memory_space<vmem>>, vector<16xf32>,
      %swap3A_1028 = arith.constant 4 : i32
      %swap3A_1029 = arith.index_cast %swap3A_1028 : i32 to index
      %swap3A_1030 = arith.constant 16 : index
      %swap3A_1031 = tpu.vector_load %arg5[%swap3A_1029, %swap3A_1030] {strides = array<i32>} : memref<8x128xf32, #tpu.memory_space<vmem>>, vector<16xf32>,
      tpu.vector_store %arg5[%swap3A_1029, %swap3A_1030], %scan3A_1010#4 {strides = array<i32>} : memref<8x128xf32, #tpu.memory_space<vmem>>, vector<16xf32>,
      %swap3A_1032 = arith.constant 5 : i32
      %swap3A_1033 = arith.index_cast %swap3A_1032 : i32 to index
      %swap3A_1034 = arith.constant 16 : index
      %swap3A_1035 = tpu.vector_load %arg5[%swap3A_1033, %swap3A_1034] {strides = array<i32>} : memref<8x128xf32, #tpu.memory_space<vmem>>, vector<16xf32>,
      tpu.vector_store %arg5[%swap3A_1033, %swap3A_1034], %scan3A_1010#5 {strides = array<i32>} : memref<8x128xf32, #tpu.memory_space<vmem>>, vector<16xf32>,
      %swap3A_1036 = arith.constant 6 : i32
      %swap3A_1037 = arith.index_cast %swap3A_1036 : i32 to index
      %swap3A_1038 = arith.constant 16 : index
      %swap3A_1039 = tpu.vector_load %arg5[%swap3A_1037, %swap3A_1038] {strides = array<i32>} : memref<8x128xf32, #tpu.memory_space<vmem>>, vector<16xf32>,
      tpu.vector_store %arg5[%swap3A_1037, %swap3A_1038], %scan3A_1010#6 {strides = array<i32>} : memref<8x128xf32, #tpu.memory_space<vmem>>, vector<16xf32>,
      %swap3A_1040 = arith.constant 7 : i32
      %swap3A_1041 = arith.index_cast %swap3A_1040 : i32 to index
      %swap3A_1042 = arith.constant 16 : index
      %swap3A_1043 = tpu.vector_load %arg5[%swap3A_1041, %swap3A_1042] {strides = array<i32>} : memref<8x128xf32, #tpu.memory_space<vmem>>, vector<16xf32>,
      tpu.vector_store %arg5[%swap3A_1041, %swap3A_1042], %scan3A_1010#7 {strides = array<i32>} : memref<8x128xf32, #tpu.memory_space<vmem>>, vector<16xf32>,
      %get3A_1044 = arith.constant 0 : i32
      %get3A_1045 = arith.index_cast %get3A_1044 : i32 to index
      %get3A_1046 = arith.constant 32 : index
      %get3A_1047 = tpu.vector_load %arg5[%get3A_1045, %get3A_1046] {strides = array<i32>} : memref<8x128xf32, #tpu.memory_space<vmem>>, vector<16xf32>,
      %get3A_1048 = arith.constant 1 : i32
      %get3A_1049 = arith.index_cast %get3A_1048 : i32 to index
      %get3A_1050 = arith.constant 32 : index
      %get3A_1051 = tpu.vector_load %arg5[%get3A_1049, %get3A_1050] {strides = array<i32>} : memref<8x128xf32, #tpu.memory_space<vmem>>, vector<16xf32>,
      %get3A_1052 = arith.constant 2 : i32
      %get3A_1053 = arith.index_cast %get3A_1052 : i32 to index
      %get3A_1054 = arith.constant 32 : index
      %get3A_1055 = tpu.vector_load %arg5[%get3A_1053, %get3A_1054] {strides = array<i32>} : memref<8x128xf32, #tpu.memory_space<vmem>>, vector<16xf32>,
      %get3A_1056 = arith.constant 3 : i32
      %get3A_1057 = arith.index_cast %get3A_1056 : i32 to index
      %get3A_1058 = arith.constant 32 : index
      %get3A_1059 = tpu.vector_load %arg5[%get3A_1057, %get3A_1058] {strides = array<i32>} : memref<8x128xf32, #tpu.memory_space<vmem>>, vector<16xf32>,
      %get3A_1060 = arith.constant 4 : i32
      %get3A_1061 = arith.index_cast %get3A_1060 : i32 to index
      %get3A_1062 = arith.constant 32 : index
      %get3A_1063 = tpu.vector_load %arg5[%get3A_1061, %get3A_1062] {strides = array<i32>} : memref<8x128xf32, #tpu.memory_space<vmem>>, vector<16xf32>,
      %get3A_1064 = arith.constant 5 : i32
      %get3A_1065 = arith.index_cast %get3A_1064 : i32 to index
      %get3A_1066 = arith.constant 32 : index
      %get3A_1067 = tpu.vector_load %arg5[%get3A_1065, %get3A_1066] {strides = array<i32>} : memref<8x128xf32, #tpu.memory_space<vmem>>, vector<16xf32>,
      %get3A_1068 = arith.constant 6 : i32
      %get3A_1069 = arith.index_cast %get3A_1068 : i32 to index
      %get3A_1070 = arith.constant 32 : index
      %get3A_1071 = tpu.vector_load %arg5[%get3A_1069, %get3A_1070] {strides = array<i32>} : memref<8x128xf32, #tpu.memory_space<vmem>>, vector<16xf32>,
      %get3A_1072 = arith.constant 7 : i32
      %get3A_1073 = arith.index_cast %get3A_1072 : i32 to index
      %get3A_1074 = arith.constant 32 : index
      %get3A_1075 = tpu.vector_load %arg5[%get3A_1073, %get3A_1074] {strides = array<i32>} : memref<8x128xf32, #tpu.memory_space<vmem>>, vector<16xf32>,
      %scan3A_1076 = arith.constant 0 : i32
      %scan3A_1077 = arith.constant 256 : i32
      %scan3A_1078 = arith.addi %scan3A_1076, %scan3A_1077 : i32
      %scan3A_1079 = arith.constant 1 : i32
      %scan3A_1080:8 = scf.for %scan3A_1464 = %scan3A_1076 to %scan3A_1078 step %scan3A_1079 iter_args(%scan3A_1465 = %get3A_1047, %scan3A_1466 = %get3A_1051, %scan3A_1467 = %get3A_1055, %scan3A_1468 = %get3A_1059, %scan3A_1469 = %get3A_1063, %scan3A_1470 = %get3A_1067, %scan3A_1471 = %get3A_1071, %scan3A_1472 = %get3A_1075) -> (vector<16xf32>, vector<16xf32>, vector<16xf32>, vector<16xf32>, vector<16xf32>, vector<16xf32>, vector<16xf32>, vector<16xf32>)  : i32 {
        %get3A_1473 = arith.index_cast %scan3A_1464 : i32 to index
        %get3A_1474 = arith.constant 32 : index
        %get3A_1475 = tpu.vector_load %arg4[%get3A_1473, %get3A_1474] {strides = array<i32>} : memref<256x128xf32, #tpu.memory_space<vmem>>, vector<16xf32>,
        %max3A = arith.maximumf %scan3A_1465, %get3A_1475 : vector<16xf32>
        %min3A = arith.minimumf %scan3A_1465, %get3A_1475 : vector<16xf32>
        %max3A_1476 = arith.maximumf %scan3A_1466, %min3A : vector<16xf32>
        %min3A_1477 = arith.minimumf %scan3A_1466, %min3A : vector<16xf32>
        %max3A_1478 = arith.maximumf %scan3A_1467, %min3A_1477 : vector<16xf32>
        %min3A_1479 = arith.minimumf %scan3A_1467, %min3A_1477 : vector<16xf32>
        %max3A_1480 = arith.maximumf %scan3A_1468, %min3A_1479 : vector<16xf32>
        %min3A_1481 = arith.minimumf %scan3A_1468, %min3A_1479 : vector<16xf32>
        %max3A_1482 = arith.maximumf %scan3A_1469, %min3A_1481 : vector<16xf32>
        %min3A_1483 = arith.minimumf %scan3A_1469, %min3A_1481 : vector<16xf32>
        %max3A_1484 = arith.maximumf %scan3A_1470, %min3A_1483 : vector<16xf32>
        %min3A_1485 = arith.minimumf %scan3A_1470, %min3A_1483 : vector<16xf32>
        %max3A_1486 = arith.maximumf %scan3A_1471, %min3A_1485 : vector<16xf32>
        %min3A_1487 = arith.minimumf %scan3A_1471, %min3A_1485 : vector<16xf32>
        %max3A_1488 = arith.maximumf %scan3A_1472, %min3A_1487 : vector<16xf32>
        %min3A_1489 = arith.minimumf %scan3A_1472, %min3A_1487 : vector<16xf32>
        scf.yield %max3A, %max3A_1476, %max3A_1478, %max3A_1480, %max3A_1482, %max3A_1484, %max3A_1486, %max3A_1488 : vector<16xf32>, vector<16xf32>, vector<16xf32>, vector<16xf32>, vector<16xf32>, vector<16xf32>, vector<16xf32>, vector<16xf32>
      }
      %scan3A_1081 = arith.constant 256 : i32
      %swap3A_1082 = arith.constant 0 : i32
      %swap3A_1083 = arith.index_cast %swap3A_1082 : i32 to index
      %swap3A_1084 = arith.constant 32 : index
      %swap3A_1085 = tpu.vector_load %arg5[%swap3A_1083, %swap3A_1084] {strides = array<i32>} : memref<8x128xf32, #tpu.memory_space<vmem>>, vector<16xf32>,
      tpu.vector_store %arg5[%swap3A_1083, %swap3A_1084], %scan3A_1080#0 {strides = array<i32>} : memref<8x128xf32, #tpu.memory_space<vmem>>, vector<16xf32>,
      %swap3A_1086 = arith.constant 1 : i32
      %swap3A_1087 = arith.index_cast %swap3A_1086 : i32 to index
      %swap3A_1088 = arith.constant 32 : index
      %swap3A_1089 = tpu.vector_load %arg5[%swap3A_1087, %swap3A_1088] {strides = array<i32>} : memref<8x128xf32, #tpu.memory_space<vmem>>, vector<16xf32>,
      tpu.vector_store %arg5[%swap3A_1087, %swap3A_1088], %scan3A_1080#1 {strides = array<i32>} : memref<8x128xf32, #tpu.memory_space<vmem>>, vector<16xf32>,
      %swap3A_1090 = arith.constant 2 : i32
      %swap3A_1091 = arith.index_cast %swap3A_1090 : i32 to index
      %swap3A_1092 = arith.constant 32 : index
      %swap3A_1093 = tpu.vector_load %arg5[%swap3A_1091, %swap3A_1092] {strides = array<i32>} : memref<8x128xf32, #tpu.memory_space<vmem>>, vector<16xf32>,
      tpu.vector_store %arg5[%swap3A_1091, %swap3A_1092], %scan3A_1080#2 {strides = array<i32>} : memref<8x128xf32, #tpu.memory_space<vmem>>, vector<16xf32>,
      %swap3A_1094 = arith.constant 3 : i32
      %swap3A_1095 = arith.index_cast %swap3A_1094 : i32 to index
      %swap3A_1096 = arith.constant 32 : index
      %swap3A_1097 = tpu.vector_load %arg5[%swap3A_1095, %swap3A_1096] {strides = array<i32>} : memref<8x128xf32, #tpu.memory_space<vmem>>, vector<16xf32>,
      tpu.vector_store %arg5[%swap3A_1095, %swap3A_1096], %scan3A_1080#3 {strides = array<i32>} : memref<8x128xf32, #tpu.memory_space<vmem>>, vector<16xf32>,
      %swap3A_1098 = arith.constant 4 : i32
      %swap3A_1099 = arith.index_cast %swap3A_1098 : i32 to index
      %swap3A_1100 = arith.constant 32 : index
      %swap3A_1101 = tpu.vector_load %arg5[%swap3A_1099, %swap3A_1100] {strides = array<i32>} : memref<8x128xf32, #tpu.memory_space<vmem>>, vector<16xf32>,
      tpu.vector_store %arg5[%swap3A_1099, %swap3A_1100], %scan3A_1080#4 {strides = array<i32>} : memref<8x128xf32, #tpu.memory_space<vmem>>, vector<16xf32>,
      %swap3A_1102 = arith.constant 5 : i32
      %swap3A_1103 = arith.index_cast %swap3A_1102 : i32 to index
      %swap3A_1104 = arith.constant 32 : index
      %swap3A_1105 = tpu.vector_load %arg5[%swap3A_1103, %swap3A_1104] {strides = array<i32>} : memref<8x128xf32, #tpu.memory_space<vmem>>, vector<16xf32>,
      tpu.vector_store %arg5[%swap3A_1103, %swap3A_1104], %scan3A_1080#5 {strides = array<i32>} : memref<8x128xf32, #tpu.memory_space<vmem>>, vector<16xf32>,
      %swap3A_1106 = arith.constant 6 : i32
      %swap3A_1107 = arith.index_cast %swap3A_1106 : i32 to index
      %swap3A_1108 = arith.constant 32 : index
      %swap3A_1109 = tpu.vector_load %arg5[%swap3A_1107, %swap3A_1108] {strides = array<i32>} : memref<8x128xf32, #tpu.memory_space<vmem>>, vector<16xf32>,
      tpu.vector_store %arg5[%swap3A_1107, %swap3A_1108], %scan3A_1080#6 {strides = array<i32>} : memref<8x128xf32, #tpu.memory_space<vmem>>, vector<16xf32>,
      %swap3A_1110 = arith.constant 7 : i32
      %swap3A_1111 = arith.index_cast %swap3A_1110 : i32 to index
      %swap3A_1112 = arith.constant 32 : index
      %swap3A_1113 = tpu.vector_load %arg5[%swap3A_1111, %swap3A_1112] {strides = array<i32>} : memref<8x128xf32, #tpu.memory_space<vmem>>, vector<16xf32>,
      tpu.vector_store %arg5[%swap3A_1111, %swap3A_1112], %scan3A_1080#7 {strides = array<i32>} : memref<8x128xf32, #tpu.memory_space<vmem>>, vector<16xf32>,
      %get3A_1114 = arith.constant 0 : i32
      %get3A_1115 = arith.index_cast %get3A_1114 : i32 to index
      %get3A_1116 = arith.constant 48 : index
      %get3A_1117 = tpu.vector_load %arg5[%get3A_1115, %get3A_1116] {strides = array<i32>} : memref<8x128xf32, #tpu.memory_space<vmem>>, vector<16xf32>,
      %get3A_1118 = arith.constant 1 : i32
      %get3A_1119 = arith.index_cast %get3A_1118 : i32 to index
      %get3A_1120 = arith.constant 48 : index
      %get3A_1121 = tpu.vector_load %arg5[%get3A_1119, %get3A_1120] {strides = array<i32>} : memref<8x128xf32, #tpu.memory_space<vmem>>, vector<16xf32>,
      %get3A_1122 = arith.constant 2 : i32
      %get3A_1123 = arith.index_cast %get3A_1122 : i32 to index
      %get3A_1124 = arith.constant 48 : index
      %get3A_1125 = tpu.vector_load %arg5[%get3A_1123, %get3A_1124] {strides = array<i32>} : memref<8x128xf32, #tpu.memory_space<vmem>>, vector<16xf32>,
      %get3A_1126 = arith.constant 3 : i32
      %get3A_1127 = arith.index_cast %get3A_1126 : i32 to index
      %get3A_1128 = arith.constant 48 : index
      %get3A_1129 = tpu.vector_load %arg5[%get3A_1127, %get3A_1128] {strides = array<i32>} : memref<8x128xf32, #tpu.memory_space<vmem>>, vector<16xf32>,
      %get3A_1130 = arith.constant 4 : i32
      %get3A_1131 = arith.index_cast %get3A_1130 : i32 to index
      %get3A_1132 = arith.constant 48 : index
      %get3A_1133 = tpu.vector_load %arg5[%get3A_1131, %get3A_1132] {strides = array<i32>} : memref<8x128xf32, #tpu.memory_space<vmem>>, vector<16xf32>,
      %get3A_1134 = arith.constant 5 : i32
      %get3A_1135 = arith.index_cast %get3A_1134 : i32 to index
      %get3A_1136 = arith.constant 48 : index
      %get3A_1137 = tpu.vector_load %arg5[%get3A_1135, %get3A_1136] {strides = array<i32>} : memref<8x128xf32, #tpu.memory_space<vmem>>, vector<16xf32>,
      %get3A_1138 = arith.constant 6 : i32
      %get3A_1139 = arith.index_cast %get3A_1138 : i32 to index
      %get3A_1140 = arith.constant 48 : index
      %get3A_1141 = tpu.vector_load %arg5[%get3A_1139, %get3A_1140] {strides = array<i32>} : memref<8x128xf32, #tpu.memory_space<vmem>>, vector<16xf32>,
      %get3A_1142 = arith.constant 7 : i32
      %get3A_1143 = arith.index_cast %get3A_1142 : i32 to index
      %get3A_1144 = arith.constant 48 : index
      %get3A_1145 = tpu.vector_load %arg5[%get3A_1143, %get3A_1144] {strides = array<i32>} : memref<8x128xf32, #tpu.memory_space<vmem>>, vector<16xf32>,
      %scan3A_1146 = arith.constant 0 : i32
      %scan3A_1147 = arith.constant 256 : i32
      %scan3A_1148 = arith.addi %scan3A_1146, %scan3A_1147 : i32
      %scan3A_1149 = arith.constant 1 : i32
      %scan3A_1150:8 = scf.for %scan3A_1464 = %scan3A_1146 to %scan3A_1148 step %scan3A_1149 iter_args(%scan3A_1465 = %get3A_1117, %scan3A_1466 = %get3A_1121, %scan3A_1467 = %get3A_1125, %scan3A_1468 = %get3A_1129, %scan3A_1469 = %get3A_1133, %scan3A_1470 = %get3A_1137, %scan3A_1471 = %get3A_1141, %scan3A_1472 = %get3A_1145) -> (vector<16xf32>, vector<16xf32>, vector<16xf32>, vector<16xf32>, vector<16xf32>, vector<16xf32>, vector<16xf32>, vector<16xf32>)  : i32 {
        %get3A_1473 = arith.index_cast %scan3A_1464 : i32 to index
        %get3A_1474 = arith.constant 48 : index
        %get3A_1475 = tpu.vector_load %arg4[%get3A_1473, %get3A_1474] {strides = array<i32>} : memref<256x128xf32, #tpu.memory_space<vmem>>, vector<16xf32>,
        %max3A = arith.maximumf %scan3A_1465, %get3A_1475 : vector<16xf32>
        %min3A = arith.minimumf %scan3A_1465, %get3A_1475 : vector<16xf32>
        %max3A_1476 = arith.maximumf %scan3A_1466, %min3A : vector<16xf32>
        %min3A_1477 = arith.minimumf %scan3A_1466, %min3A : vector<16xf32>
        %max3A_1478 = arith.maximumf %scan3A_1467, %min3A_1477 : vector<16xf32>
        %min3A_1479 = arith.minimumf %scan3A_1467, %min3A_1477 : vector<16xf32>
        %max3A_1480 = arith.maximumf %scan3A_1468, %min3A_1479 : vector<16xf32>
        %min3A_1481 = arith.minimumf %scan3A_1468, %min3A_1479 : vector<16xf32>
        %max3A_1482 = arith.maximumf %scan3A_1469, %min3A_1481 : vector<16xf32>
        %min3A_1483 = arith.minimumf %scan3A_1469, %min3A_1481 : vector<16xf32>
        %max3A_1484 = arith.maximumf %scan3A_1470, %min3A_1483 : vector<16xf32>
        %min3A_1485 = arith.minimumf %scan3A_1470, %min3A_1483 : vector<16xf32>
        %max3A_1486 = arith.maximumf %scan3A_1471, %min3A_1485 : vector<16xf32>
        %min3A_1487 = arith.minimumf %scan3A_1471, %min3A_1485 : vector<16xf32>
        %max3A_1488 = arith.maximumf %scan3A_1472, %min3A_1487 : vector<16xf32>
        %min3A_1489 = arith.minimumf %scan3A_1472, %min3A_1487 : vector<16xf32>
        scf.yield %max3A, %max3A_1476, %max3A_1478, %max3A_1480, %max3A_1482, %max3A_1484, %max3A_1486, %max3A_1488 : vector<16xf32>, vector<16xf32>, vector<16xf32>, vector<16xf32>, vector<16xf32>, vector<16xf32>, vector<16xf32>, vector<16xf32>
      }
      %scan3A_1151 = arith.constant 256 : i32
      %swap3A_1152 = arith.constant 0 : i32
      %swap3A_1153 = arith.index_cast %swap3A_1152 : i32 to index
      %swap3A_1154 = arith.constant 48 : index
      %swap3A_1155 = tpu.vector_load %arg5[%swap3A_1153, %swap3A_1154] {strides = array<i32>} : memref<8x128xf32, #tpu.memory_space<vmem>>, vector<16xf32>,
      tpu.vector_store %arg5[%swap3A_1153, %swap3A_1154], %scan3A_1150#0 {strides = array<i32>} : memref<8x128xf32, #tpu.memory_space<vmem>>, vector<16xf32>,
      %swap3A_1156 = arith.constant 1 : i32
      %swap3A_1157 = arith.index_cast %swap3A_1156 : i32 to index
      %swap3A_1158 = arith.constant 48 : index
      %swap3A_1159 = tpu.vector_load %arg5[%swap3A_1157, %swap3A_1158] {strides = array<i32>} : memref<8x128xf32, #tpu.memory_space<vmem>>, vector<16xf32>,
      tpu.vector_store %arg5[%swap3A_1157, %swap3A_1158], %scan3A_1150#1 {strides = array<i32>} : memref<8x128xf32, #tpu.memory_space<vmem>>, vector<16xf32>,
      %swap3A_1160 = arith.constant 2 : i32
      %swap3A_1161 = arith.index_cast %swap3A_1160 : i32 to index
      %swap3A_1162 = arith.constant 48 : index
      %swap3A_1163 = tpu.vector_load %arg5[%swap3A_1161, %swap3A_1162] {strides = array<i32>} : memref<8x128xf32, #tpu.memory_space<vmem>>, vector<16xf32>,
      tpu.vector_store %arg5[%swap3A_1161, %swap3A_1162], %scan3A_1150#2 {strides = array<i32>} : memref<8x128xf32, #tpu.memory_space<vmem>>, vector<16xf32>,
      %swap3A_1164 = arith.constant 3 : i32
      %swap3A_1165 = arith.index_cast %swap3A_1164 : i32 to index
      %swap3A_1166 = arith.constant 48 : index
      %swap3A_1167 = tpu.vector_load %arg5[%swap3A_1165, %swap3A_1166] {strides = array<i32>} : memref<8x128xf32, #tpu.memory_space<vmem>>, vector<16xf32>,
      tpu.vector_store %arg5[%swap3A_1165, %swap3A_1166], %scan3A_1150#3 {strides = array<i32>} : memref<8x128xf32, #tpu.memory_space<vmem>>, vector<16xf32>,
      %swap3A_1168 = arith.constant 4 : i32
      %swap3A_1169 = arith.index_cast %swap3A_1168 : i32 to index
      %swap3A_1170 = arith.constant 48 : index
      %swap3A_1171 = tpu.vector_load %arg5[%swap3A_1169, %swap3A_1170] {strides = array<i32>} : memref<8x128xf32, #tpu.memory_space<vmem>>, vector<16xf32>,
      tpu.vector_store %arg5[%swap3A_1169, %swap3A_1170], %scan3A_1150#4 {strides = array<i32>} : memref<8x128xf32, #tpu.memory_space<vmem>>, vector<16xf32>,
      %swap3A_1172 = arith.constant 5 : i32
      %swap3A_1173 = arith.index_cast %swap3A_1172 : i32 to index
      %swap3A_1174 = arith.constant 48 : index
      %swap3A_1175 = tpu.vector_load %arg5[%swap3A_1173, %swap3A_1174] {strides = array<i32>} : memref<8x128xf32, #tpu.memory_space<vmem>>, vector<16xf32>,
      tpu.vector_store %arg5[%swap3A_1173, %swap3A_1174], %scan3A_1150#5 {strides = array<i32>} : memref<8x128xf32, #tpu.memory_space<vmem>>, vector<16xf32>,
      %swap3A_1176 = arith.constant 6 : i32
      %swap3A_1177 = arith.index_cast %swap3A_1176 : i32 to index
      %swap3A_1178 = arith.constant 48 : index
      %swap3A_1179 = tpu.vector_load %arg5[%swap3A_1177, %swap3A_1178] {strides = array<i32>} : memref<8x128xf32, #tpu.memory_space<vmem>>, vector<16xf32>,
      tpu.vector_store %arg5[%swap3A_1177, %swap3A_1178], %scan3A_1150#6 {strides = array<i32>} : memref<8x128xf32, #tpu.memory_space<vmem>>, vector<16xf32>,
      %swap3A_1180 = arith.constant 7 : i32
      %swap3A_1181 = arith.index_cast %swap3A_1180 : i32 to index
      %swap3A_1182 = arith.constant 48 : index
      %swap3A_1183 = tpu.vector_load %arg5[%swap3A_1181, %swap3A_1182] {strides = array<i32>} : memref<8x128xf32, #tpu.memory_space<vmem>>, vector<16xf32>,
      tpu.vector_store %arg5[%swap3A_1181, %swap3A_1182], %scan3A_1150#7 {strides = array<i32>} : memref<8x128xf32, #tpu.memory_space<vmem>>, vector<16xf32>,
      %get3A_1184 = arith.constant 0 : i32
      %get3A_1185 = arith.index_cast %get3A_1184 : i32 to index
      %get3A_1186 = arith.constant 64 : index
      %get3A_1187 = tpu.vector_load %arg5[%get3A_1185, %get3A_1186] {strides = array<i32>} : memref<8x128xf32, #tpu.memory_space<vmem>>, vector<16xf32>,
      %get3A_1188 = arith.constant 1 : i32
      %get3A_1189 = arith.index_cast %get3A_1188 : i32 to index
      %get3A_1190 = arith.constant 64 : index
      %get3A_1191 = tpu.vector_load %arg5[%get3A_1189, %get3A_1190] {strides = array<i32>} : memref<8x128xf32, #tpu.memory_space<vmem>>, vector<16xf32>,
      %get3A_1192 = arith.constant 2 : i32
      %get3A_1193 = arith.index_cast %get3A_1192 : i32 to index
      %get3A_1194 = arith.constant 64 : index
      %get3A_1195 = tpu.vector_load %arg5[%get3A_1193, %get3A_1194] {strides = array<i32>} : memref<8x128xf32, #tpu.memory_space<vmem>>, vector<16xf32>,
      %get3A_1196 = arith.constant 3 : i32
      %get3A_1197 = arith.index_cast %get3A_1196 : i32 to index
      %get3A_1198 = arith.constant 64 : index
      %get3A_1199 = tpu.vector_load %arg5[%get3A_1197, %get3A_1198] {strides = array<i32>} : memref<8x128xf32, #tpu.memory_space<vmem>>, vector<16xf32>,
      %get3A_1200 = arith.constant 4 : i32
      %get3A_1201 = arith.index_cast %get3A_1200 : i32 to index
      %get3A_1202 = arith.constant 64 : index
      %get3A_1203 = tpu.vector_load %arg5[%get3A_1201, %get3A_1202] {strides = array<i32>} : memref<8x128xf32, #tpu.memory_space<vmem>>, vector<16xf32>,
      %get3A_1204 = arith.constant 5 : i32
      %get3A_1205 = arith.index_cast %get3A_1204 : i32 to index
      %get3A_1206 = arith.constant 64 : index
      %get3A_1207 = tpu.vector_load %arg5[%get3A_1205, %get3A_1206] {strides = array<i32>} : memref<8x128xf32, #tpu.memory_space<vmem>>, vector<16xf32>,
      %get3A_1208 = arith.constant 6 : i32
      %get3A_1209 = arith.index_cast %get3A_1208 : i32 to index
      %get3A_1210 = arith.constant 64 : index
      %get3A_1211 = tpu.vector_load %arg5[%get3A_1209, %get3A_1210] {strides = array<i32>} : memref<8x128xf32, #tpu.memory_space<vmem>>, vector<16xf32>,
      %get3A_1212 = arith.constant 7 : i32
      %get3A_1213 = arith.index_cast %get3A_1212 : i32 to index
      %get3A_1214 = arith.constant 64 : index
      %get3A_1215 = tpu.vector_load %arg5[%get3A_1213, %get3A_1214] {strides = array<i32>} : memref<8x128xf32, #tpu.memory_space<vmem>>, vector<16xf32>,
      %scan3A_1216 = arith.constant 0 : i32
      %scan3A_1217 = arith.constant 256 : i32
      %scan3A_1218 = arith.addi %scan3A_1216, %scan3A_1217 : i32
      %scan3A_1219 = arith.constant 1 : i32
      %scan3A_1220:8 = scf.for %scan3A_1464 = %scan3A_1216 to %scan3A_1218 step %scan3A_1219 iter_args(%scan3A_1465 = %get3A_1187, %scan3A_1466 = %get3A_1191, %scan3A_1467 = %get3A_1195, %scan3A_1468 = %get3A_1199, %scan3A_1469 = %get3A_1203, %scan3A_1470 = %get3A_1207, %scan3A_1471 = %get3A_1211, %scan3A_1472 = %get3A_1215) -> (vector<16xf32>, vector<16xf32>, vector<16xf32>, vector<16xf32>, vector<16xf32>, vector<16xf32>, vector<16xf32>, vector<16xf32>)  : i32 {
        %get3A_1473 = arith.index_cast %scan3A_1464 : i32 to index
        %get3A_1474 = arith.constant 64 : index
        %get3A_1475 = tpu.vector_load %arg4[%get3A_1473, %get3A_1474] {strides = array<i32>} : memref<256x128xf32, #tpu.memory_space<vmem>>, vector<16xf32>,
        %max3A = arith.maximumf %scan3A_1465, %get3A_1475 : vector<16xf32>
        %min3A = arith.minimumf %scan3A_1465, %get3A_1475 : vector<16xf32>
        %max3A_1476 = arith.maximumf %scan3A_1466, %min3A : vector<16xf32>
        %min3A_1477 = arith.minimumf %scan3A_1466, %min3A : vector<16xf32>
        %max3A_1478 = arith.maximumf %scan3A_1467, %min3A_1477 : vector<16xf32>
        %min3A_1479 = arith.minimumf %scan3A_1467, %min3A_1477 : vector<16xf32>
        %max3A_1480 = arith.maximumf %scan3A_1468, %min3A_1479 : vector<16xf32>
        %min3A_1481 = arith.minimumf %scan3A_1468, %min3A_1479 : vector<16xf32>
        %max3A_1482 = arith.maximumf %scan3A_1469, %min3A_1481 : vector<16xf32>
        %min3A_1483 = arith.minimumf %scan3A_1469, %min3A_1481 : vector<16xf32>
        %max3A_1484 = arith.maximumf %scan3A_1470, %min3A_1483 : vector<16xf32>
        %min3A_1485 = arith.minimumf %scan3A_1470, %min3A_1483 : vector<16xf32>
        %max3A_1486 = arith.maximumf %scan3A_1471, %min3A_1485 : vector<16xf32>
        %min3A_1487 = arith.minimumf %scan3A_1471, %min3A_1485 : vector<16xf32>
        %max3A_1488 = arith.maximumf %scan3A_1472, %min3A_1487 : vector<16xf32>
        %min3A_1489 = arith.minimumf %scan3A_1472, %min3A_1487 : vector<16xf32>
        scf.yield %max3A, %max3A_1476, %max3A_1478, %max3A_1480, %max3A_1482, %max3A_1484, %max3A_1486, %max3A_1488 : vector<16xf32>, vector<16xf32>, vector<16xf32>, vector<16xf32>, vector<16xf32>, vector<16xf32>, vector<16xf32>, vector<16xf32>
      }
      %scan3A_1221 = arith.constant 256 : i32
      %swap3A_1222 = arith.constant 0 : i32
      %swap3A_1223 = arith.index_cast %swap3A_1222 : i32 to index
      %swap3A_1224 = arith.constant 64 : index
      %swap3A_1225 = tpu.vector_load %arg5[%swap3A_1223, %swap3A_1224] {strides = array<i32>} : memref<8x128xf32, #tpu.memory_space<vmem>>, vector<16xf32>,
      tpu.vector_store %arg5[%swap3A_1223, %swap3A_1224], %scan3A_1220#0 {strides = array<i32>} : memref<8x128xf32, #tpu.memory_space<vmem>>, vector<16xf32>,
      %swap3A_1226 = arith.constant 1 : i32
      %swap3A_1227 = arith.index_cast %swap3A_1226 : i32 to index
      %swap3A_1228 = arith.constant 64 : index
      %swap3A_1229 = tpu.vector_load %arg5[%swap3A_1227, %swap3A_1228] {strides = array<i32>} : memref<8x128xf32, #tpu.memory_space<vmem>>, vector<16xf32>,
      tpu.vector_store %arg5[%swap3A_1227, %swap3A_1228], %scan3A_1220#1 {strides = array<i32>} : memref<8x128xf32, #tpu.memory_space<vmem>>, vector<16xf32>,
      %swap3A_1230 = arith.constant 2 : i32
      %swap3A_1231 = arith.index_cast %swap3A_1230 : i32 to index
      %swap3A_1232 = arith.constant 64 : index
      %swap3A_1233 = tpu.vector_load %arg5[%swap3A_1231, %swap3A_1232] {strides = array<i32>} : memref<8x128xf32, #tpu.memory_space<vmem>>, vector<16xf32>,
      tpu.vector_store %arg5[%swap3A_1231, %swap3A_1232], %scan3A_1220#2 {strides = array<i32>} : memref<8x128xf32, #tpu.memory_space<vmem>>, vector<16xf32>,
      %swap3A_1234 = arith.constant 3 : i32
      %swap3A_1235 = arith.index_cast %swap3A_1234 : i32 to index
      %swap3A_1236 = arith.constant 64 : index
      %swap3A_1237 = tpu.vector_load %arg5[%swap3A_1235, %swap3A_1236] {strides = array<i32>} : memref<8x128xf32, #tpu.memory_space<vmem>>, vector<16xf32>,
      tpu.vector_store %arg5[%swap3A_1235, %swap3A_1236], %scan3A_1220#3 {strides = array<i32>} : memref<8x128xf32, #tpu.memory_space<vmem>>, vector<16xf32>,
      %swap3A_1238 = arith.constant 4 : i32
      %swap3A_1239 = arith.index_cast %swap3A_1238 : i32 to index
      %swap3A_1240 = arith.constant 64 : index
      %swap3A_1241 = tpu.vector_load %arg5[%swap3A_1239, %swap3A_1240] {strides = array<i32>} : memref<8x128xf32, #tpu.memory_space<vmem>>, vector<16xf32>,
      tpu.vector_store %arg5[%swap3A_1239, %swap3A_1240], %scan3A_1220#4 {strides = array<i32>} : memref<8x128xf32, #tpu.memory_space<vmem>>, vector<16xf32>,
      %swap3A_1242 = arith.constant 5 : i32
      %swap3A_1243 = arith.index_cast %swap3A_1242 : i32 to index
      %swap3A_1244 = arith.constant 64 : index
      %swap3A_1245 = tpu.vector_load %arg5[%swap3A_1243, %swap3A_1244] {strides = array<i32>} : memref<8x128xf32, #tpu.memory_space<vmem>>, vector<16xf32>,
      tpu.vector_store %arg5[%swap3A_1243, %swap3A_1244], %scan3A_1220#5 {strides = array<i32>} : memref<8x128xf32, #tpu.memory_space<vmem>>, vector<16xf32>,
      %swap3A_1246 = arith.constant 6 : i32
      %swap3A_1247 = arith.index_cast %swap3A_1246 : i32 to index
      %swap3A_1248 = arith.constant 64 : index
      %swap3A_1249 = tpu.vector_load %arg5[%swap3A_1247, %swap3A_1248] {strides = array<i32>} : memref<8x128xf32, #tpu.memory_space<vmem>>, vector<16xf32>,
      tpu.vector_store %arg5[%swap3A_1247, %swap3A_1248], %scan3A_1220#6 {strides = array<i32>} : memref<8x128xf32, #tpu.memory_space<vmem>>, vector<16xf32>,
      %swap3A_1250 = arith.constant 7 : i32
      %swap3A_1251 = arith.index_cast %swap3A_1250 : i32 to index
      %swap3A_1252 = arith.constant 64 : index
      %swap3A_1253 = tpu.vector_load %arg5[%swap3A_1251, %swap3A_1252] {strides = array<i32>} : memref<8x128xf32, #tpu.memory_space<vmem>>, vector<16xf32>,
      tpu.vector_store %arg5[%swap3A_1251, %swap3A_1252], %scan3A_1220#7 {strides = array<i32>} : memref<8x128xf32, #tpu.memory_space<vmem>>, vector<16xf32>,
      %get3A_1254 = arith.constant 0 : i32
      %get3A_1255 = arith.index_cast %get3A_1254 : i32 to index
      %get3A_1256 = arith.constant 80 : index
      %get3A_1257 = tpu.vector_load %arg5[%get3A_1255, %get3A_1256] {strides = array<i32>} : memref<8x128xf32, #tpu.memory_space<vmem>>, vector<16xf32>,
      %get3A_1258 = arith.constant 1 : i32
      %get3A_1259 = arith.index_cast %get3A_1258 : i32 to index
      %get3A_1260 = arith.constant 80 : index
      %get3A_1261 = tpu.vector_load %arg5[%get3A_1259, %get3A_1260] {strides = array<i32>} : memref<8x128xf32, #tpu.memory_space<vmem>>, vector<16xf32>,
      %get3A_1262 = arith.constant 2 : i32
      %get3A_1263 = arith.index_cast %get3A_1262 : i32 to index
      %get3A_1264 = arith.constant 80 : index
      %get3A_1265 = tpu.vector_load %arg5[%get3A_1263, %get3A_1264] {strides = array<i32>} : memref<8x128xf32, #tpu.memory_space<vmem>>, vector<16xf32>,
      %get3A_1266 = arith.constant 3 : i32
      %get3A_1267 = arith.index_cast %get3A_1266 : i32 to index
      %get3A_1268 = arith.constant 80 : index
      %get3A_1269 = tpu.vector_load %arg5[%get3A_1267, %get3A_1268] {strides = array<i32>} : memref<8x128xf32, #tpu.memory_space<vmem>>, vector<16xf32>,
      %get3A_1270 = arith.constant 4 : i32
      %get3A_1271 = arith.index_cast %get3A_1270 : i32 to index
      %get3A_1272 = arith.constant 80 : index
      %get3A_1273 = tpu.vector_load %arg5[%get3A_1271, %get3A_1272] {strides = array<i32>} : memref<8x128xf32, #tpu.memory_space<vmem>>, vector<16xf32>,
      %get3A_1274 = arith.constant 5 : i32
      %get3A_1275 = arith.index_cast %get3A_1274 : i32 to index
      %get3A_1276 = arith.constant 80 : index
      %get3A_1277 = tpu.vector_load %arg5[%get3A_1275, %get3A_1276] {strides = array<i32>} : memref<8x128xf32, #tpu.memory_space<vmem>>, vector<16xf32>,
      %get3A_1278 = arith.constant 6 : i32
      %get3A_1279 = arith.index_cast %get3A_1278 : i32 to index
      %get3A_1280 = arith.constant 80 : index
      %get3A_1281 = tpu.vector_load %arg5[%get3A_1279, %get3A_1280] {strides = array<i32>} : memref<8x128xf32, #tpu.memory_space<vmem>>, vector<16xf32>,
      %get3A_1282 = arith.constant 7 : i32
      %get3A_1283 = arith.index_cast %get3A_1282 : i32 to index
      %get3A_1284 = arith.constant 80 : index
      %get3A_1285 = tpu.vector_load %arg5[%get3A_1283, %get3A_1284] {strides = array<i32>} : memref<8x128xf32, #tpu.memory_space<vmem>>, vector<16xf32>,
      %scan3A_1286 = arith.constant 0 : i32
      %scan3A_1287 = arith.constant 256 : i32
      %scan3A_1288 = arith.addi %scan3A_1286, %scan3A_1287 : i32
      %scan3A_1289 = arith.constant 1 : i32
      %scan3A_1290:8 = scf.for %scan3A_1464 = %scan3A_1286 to %scan3A_1288 step %scan3A_1289 iter_args(%scan3A_1465 = %get3A_1257, %scan3A_1466 = %get3A_1261, %scan3A_1467 = %get3A_1265, %scan3A_1468 = %get3A_1269, %scan3A_1469 = %get3A_1273, %scan3A_1470 = %get3A_1277, %scan3A_1471 = %get3A_1281, %scan3A_1472 = %get3A_1285) -> (vector<16xf32>, vector<16xf32>, vector<16xf32>, vector<16xf32>, vector<16xf32>, vector<16xf32>, vector<16xf32>, vector<16xf32>)  : i32 {
        %get3A_1473 = arith.index_cast %scan3A_1464 : i32 to index
        %get3A_1474 = arith.constant 80 : index
        %get3A_1475 = tpu.vector_load %arg4[%get3A_1473, %get3A_1474] {strides = array<i32>} : memref<256x128xf32, #tpu.memory_space<vmem>>, vector<16xf32>,
        %max3A = arith.maximumf %scan3A_1465, %get3A_1475 : vector<16xf32>
        %min3A = arith.minimumf %scan3A_1465, %get3A_1475 : vector<16xf32>
        %max3A_1476 = arith.maximumf %scan3A_1466, %min3A : vector<16xf32>
        %min3A_1477 = arith.minimumf %scan3A_1466, %min3A : vector<16xf32>
        %max3A_1478 = arith.maximumf %scan3A_1467, %min3A_1477 : vector<16xf32>
        %min3A_1479 = arith.minimumf %scan3A_1467, %min3A_1477 : vector<16xf32>
        %max3A_1480 = arith.maximumf %scan3A_1468, %min3A_1479 : vector<16xf32>
        %min3A_1481 = arith.minimumf %scan3A_1468, %min3A_1479 : vector<16xf32>
        %max3A_1482 = arith.maximumf %scan3A_1469, %min3A_1481 : vector<16xf32>
        %min3A_1483 = arith.minimumf %scan3A_1469, %min3A_1481 : vector<16xf32>
        %max3A_1484 = arith.maximumf %scan3A_1470, %min3A_1483 : vector<16xf32>
        %min3A_1485 = arith.minimumf %scan3A_1470, %min3A_1483 : vector<16xf32>
        %max3A_1486 = arith.maximumf %scan3A_1471, %min3A_1485 : vector<16xf32>
        %min3A_1487 = arith.minimumf %scan3A_1471, %min3A_1485 : vector<16xf32>
        %max3A_1488 = arith.maximumf %scan3A_1472, %min3A_1487 : vector<16xf32>
        %min3A_1489 = arith.minimumf %scan3A_1472, %min3A_1487 : vector<16xf32>
        scf.yield %max3A, %max3A_1476, %max3A_1478, %max3A_1480, %max3A_1482, %max3A_1484, %max3A_1486, %max3A_1488 : vector<16xf32>, vector<16xf32>, vector<16xf32>, vector<16xf32>, vector<16xf32>, vector<16xf32>, vector<16xf32>, vector<16xf32>
      }
      %scan3A_1291 = arith.constant 256 : i32
      %swap3A_1292 = arith.constant 0 : i32
      %swap3A_1293 = arith.index_cast %swap3A_1292 : i32 to index
      %swap3A_1294 = arith.constant 80 : index
      %swap3A_1295 = tpu.vector_load %arg5[%swap3A_1293, %swap3A_1294] {strides = array<i32>} : memref<8x128xf32, #tpu.memory_space<vmem>>, vector<16xf32>,
      tpu.vector_store %arg5[%swap3A_1293, %swap3A_1294], %scan3A_1290#0 {strides = array<i32>} : memref<8x128xf32, #tpu.memory_space<vmem>>, vector<16xf32>,
      %swap3A_1296 = arith.constant 1 : i32
      %swap3A_1297 = arith.index_cast %swap3A_1296 : i32 to index
      %swap3A_1298 = arith.constant 80 : index
      %swap3A_1299 = tpu.vector_load %arg5[%swap3A_1297, %swap3A_1298] {strides = array<i32>} : memref<8x128xf32, #tpu.memory_space<vmem>>, vector<16xf32>,
      tpu.vector_store %arg5[%swap3A_1297, %swap3A_1298], %scan3A_1290#1 {strides = array<i32>} : memref<8x128xf32, #tpu.memory_space<vmem>>, vector<16xf32>,
      %swap3A_1300 = arith.constant 2 : i32
      %swap3A_1301 = arith.index_cast %swap3A_1300 : i32 to index
      %swap3A_1302 = arith.constant 80 : index
      %swap3A_1303 = tpu.vector_load %arg5[%swap3A_1301, %swap3A_1302] {strides = array<i32>} : memref<8x128xf32, #tpu.memory_space<vmem>>, vector<16xf32>,
      tpu.vector_store %arg5[%swap3A_1301, %swap3A_1302], %scan3A_1290#2 {strides = array<i32>} : memref<8x128xf32, #tpu.memory_space<vmem>>, vector<16xf32>,
      %swap3A_1304 = arith.constant 3 : i32
      %swap3A_1305 = arith.index_cast %swap3A_1304 : i32 to index
      %swap3A_1306 = arith.constant 80 : index
      %swap3A_1307 = tpu.vector_load %arg5[%swap3A_1305, %swap3A_1306] {strides = array<i32>} : memref<8x128xf32, #tpu.memory_space<vmem>>, vector<16xf32>,
      tpu.vector_store %arg5[%swap3A_1305, %swap3A_1306], %scan3A_1290#3 {strides = array<i32>} : memref<8x128xf32, #tpu.memory_space<vmem>>, vector<16xf32>,
      %swap3A_1308 = arith.constant 4 : i32
      %swap3A_1309 = arith.index_cast %swap3A_1308 : i32 to index
      %swap3A_1310 = arith.constant 80 : index
      %swap3A_1311 = tpu.vector_load %arg5[%swap3A_1309, %swap3A_1310] {strides = array<i32>} : memref<8x128xf32, #tpu.memory_space<vmem>>, vector<16xf32>,
      tpu.vector_store %arg5[%swap3A_1309, %swap3A_1310], %scan3A_1290#4 {strides = array<i32>} : memref<8x128xf32, #tpu.memory_space<vmem>>, vector<16xf32>,
      %swap3A_1312 = arith.constant 5 : i32
      %swap3A_1313 = arith.index_cast %swap3A_1312 : i32 to index
      %swap3A_1314 = arith.constant 80 : index
      %swap3A_1315 = tpu.vector_load %arg5[%swap3A_1313, %swap3A_1314] {strides = array<i32>} : memref<8x128xf32, #tpu.memory_space<vmem>>, vector<16xf32>,
      tpu.vector_store %arg5[%swap3A_1313, %swap3A_1314], %scan3A_1290#5 {strides = array<i32>} : memref<8x128xf32, #tpu.memory_space<vmem>>, vector<16xf32>,
      %swap3A_1316 = arith.constant 6 : i32
      %swap3A_1317 = arith.index_cast %swap3A_1316 : i32 to index
      %swap3A_1318 = arith.constant 80 : index
      %swap3A_1319 = tpu.vector_load %arg5[%swap3A_1317, %swap3A_1318] {strides = array<i32>} : memref<8x128xf32, #tpu.memory_space<vmem>>, vector<16xf32>,
      tpu.vector_store %arg5[%swap3A_1317, %swap3A_1318], %scan3A_1290#6 {strides = array<i32>} : memref<8x128xf32, #tpu.memory_space<vmem>>, vector<16xf32>,
      %swap3A_1320 = arith.constant 7 : i32
      %swap3A_1321 = arith.index_cast %swap3A_1320 : i32 to index
      %swap3A_1322 = arith.constant 80 : index
      %swap3A_1323 = tpu.vector_load %arg5[%swap3A_1321, %swap3A_1322] {strides = array<i32>} : memref<8x128xf32, #tpu.memory_space<vmem>>, vector<16xf32>,
      tpu.vector_store %arg5[%swap3A_1321, %swap3A_1322], %scan3A_1290#7 {strides = array<i32>} : memref<8x128xf32, #tpu.memory_space<vmem>>, vector<16xf32>,
      %get3A_1324 = arith.constant 0 : i32
      %get3A_1325 = arith.index_cast %get3A_1324 : i32 to index
      %get3A_1326 = arith.constant 96 : index
      %get3A_1327 = tpu.vector_load %arg5[%get3A_1325, %get3A_1326] {strides = array<i32>} : memref<8x128xf32, #tpu.memory_space<vmem>>, vector<16xf32>,
      %get3A_1328 = arith.constant 1 : i32
      %get3A_1329 = arith.index_cast %get3A_1328 : i32 to index
      %get3A_1330 = arith.constant 96 : index
      %get3A_1331 = tpu.vector_load %arg5[%get3A_1329, %get3A_1330] {strides = array<i32>} : memref<8x128xf32, #tpu.memory_space<vmem>>, vector<16xf32>,
      %get3A_1332 = arith.constant 2 : i32
      %get3A_1333 = arith.index_cast %get3A_1332 : i32 to index
      %get3A_1334 = arith.constant 96 : index
      %get3A_1335 = tpu.vector_load %arg5[%get3A_1333, %get3A_1334] {strides = array<i32>} : memref<8x128xf32, #tpu.memory_space<vmem>>, vector<16xf32>,
      %get3A_1336 = arith.constant 3 : i32
      %get3A_1337 = arith.index_cast %get3A_1336 : i32 to index
      %get3A_1338 = arith.constant 96 : index
      %get3A_1339 = tpu.vector_load %arg5[%get3A_1337, %get3A_1338] {strides = array<i32>} : memref<8x128xf32, #tpu.memory_space<vmem>>, vector<16xf32>,
      %get3A_1340 = arith.constant 4 : i32
      %get3A_1341 = arith.index_cast %get3A_1340 : i32 to index
      %get3A_1342 = arith.constant 96 : index
      %get3A_1343 = tpu.vector_load %arg5[%get3A_1341, %get3A_1342] {strides = array<i32>} : memref<8x128xf32, #tpu.memory_space<vmem>>, vector<16xf32>,
      %get3A_1344 = arith.constant 5 : i32
      %get3A_1345 = arith.index_cast %get3A_1344 : i32 to index
      %get3A_1346 = arith.constant 96 : index
      %get3A_1347 = tpu.vector_load %arg5[%get3A_1345, %get3A_1346] {strides = array<i32>} : memref<8x128xf32, #tpu.memory_space<vmem>>, vector<16xf32>,
      %get3A_1348 = arith.constant 6 : i32
      %get3A_1349 = arith.index_cast %get3A_1348 : i32 to index
      %get3A_1350 = arith.constant 96 : index
      %get3A_1351 = tpu.vector_load %arg5[%get3A_1349, %get3A_1350] {strides = array<i32>} : memref<8x128xf32, #tpu.memory_space<vmem>>, vector<16xf32>,
      %get3A_1352 = arith.constant 7 : i32
      %get3A_1353 = arith.index_cast %get3A_1352 : i32 to index
      %get3A_1354 = arith.constant 96 : index
      %get3A_1355 = tpu.vector_load %arg5[%get3A_1353, %get3A_1354] {strides = array<i32>} : memref<8x128xf32, #tpu.memory_space<vmem>>, vector<16xf32>,
      %scan3A_1356 = arith.constant 0 : i32
      %scan3A_1357 = arith.constant 256 : i32
      %scan3A_1358 = arith.addi %scan3A_1356, %scan3A_1357 : i32
      %scan3A_1359 = arith.constant 1 : i32
      %scan3A_1360:8 = scf.for %scan3A_1464 = %scan3A_1356 to %scan3A_1358 step %scan3A_1359 iter_args(%scan3A_1465 = %get3A_1327, %scan3A_1466 = %get3A_1331, %scan3A_1467 = %get3A_1335, %scan3A_1468 = %get3A_1339, %scan3A_1469 = %get3A_1343, %scan3A_1470 = %get3A_1347, %scan3A_1471 = %get3A_1351, %scan3A_1472 = %get3A_1355) -> (vector<16xf32>, vector<16xf32>, vector<16xf32>, vector<16xf32>, vector<16xf32>, vector<16xf32>, vector<16xf32>, vector<16xf32>)  : i32 {
        %get3A_1473 = arith.index_cast %scan3A_1464 : i32 to index
        %get3A_1474 = arith.constant 96 : index
        %get3A_1475 = tpu.vector_load %arg4[%get3A_1473, %get3A_1474] {strides = array<i32>} : memref<256x128xf32, #tpu.memory_space<vmem>>, vector<16xf32>,
        %max3A = arith.maximumf %scan3A_1465, %get3A_1475 : vector<16xf32>
        %min3A = arith.minimumf %scan3A_1465, %get3A_1475 : vector<16xf32>
        %max3A_1476 = arith.maximumf %scan3A_1466, %min3A : vector<16xf32>
        %min3A_1477 = arith.minimumf %scan3A_1466, %min3A : vector<16xf32>
        %max3A_1478 = arith.maximumf %scan3A_1467, %min3A_1477 : vector<16xf32>
        %min3A_1479 = arith.minimumf %scan3A_1467, %min3A_1477 : vector<16xf32>
        %max3A_1480 = arith.maximumf %scan3A_1468, %min3A_1479 : vector<16xf32>
        %min3A_1481 = arith.minimumf %scan3A_1468, %min3A_1479 : vector<16xf32>
        %max3A_1482 = arith.maximumf %scan3A_1469, %min3A_1481 : vector<16xf32>
        %min3A_1483 = arith.minimumf %scan3A_1469, %min3A_1481 : vector<16xf32>
        %max3A_1484 = arith.maximumf %scan3A_1470, %min3A_1483 : vector<16xf32>
        %min3A_1485 = arith.minimumf %scan3A_1470, %min3A_1483 : vector<16xf32>
        %max3A_1486 = arith.maximumf %scan3A_1471, %min3A_1485 : vector<16xf32>
        %min3A_1487 = arith.minimumf %scan3A_1471, %min3A_1485 : vector<16xf32>
        %max3A_1488 = arith.maximumf %scan3A_1472, %min3A_1487 : vector<16xf32>
        %min3A_1489 = arith.minimumf %scan3A_1472, %min3A_1487 : vector<16xf32>
        scf.yield %max3A, %max3A_1476, %max3A_1478, %max3A_1480, %max3A_1482, %max3A_1484, %max3A_1486, %max3A_1488 : vector<16xf32>, vector<16xf32>, vector<16xf32>, vector<16xf32>, vector<16xf32>, vector<16xf32>, vector<16xf32>, vector<16xf32>
      }
      %scan3A_1361 = arith.constant 256 : i32
      %swap3A_1362 = arith.constant 0 : i32
      %swap3A_1363 = arith.index_cast %swap3A_1362 : i32 to index
      %swap3A_1364 = arith.constant 96 : index
      %swap3A_1365 = tpu.vector_load %arg5[%swap3A_1363, %swap3A_1364] {strides = array<i32>} : memref<8x128xf32, #tpu.memory_space<vmem>>, vector<16xf32>,
      tpu.vector_store %arg5[%swap3A_1363, %swap3A_1364], %scan3A_1360#0 {strides = array<i32>} : memref<8x128xf32, #tpu.memory_space<vmem>>, vector<16xf32>,
      %swap3A_1366 = arith.constant 1 : i32
      %swap3A_1367 = arith.index_cast %swap3A_1366 : i32 to index
      %swap3A_1368 = arith.constant 96 : index
      %swap3A_1369 = tpu.vector_load %arg5[%swap3A_1367, %swap3A_1368] {strides = array<i32>} : memref<8x128xf32, #tpu.memory_space<vmem>>, vector<16xf32>,
      tpu.vector_store %arg5[%swap3A_1367, %swap3A_1368], %scan3A_1360#1 {strides = array<i32>} : memref<8x128xf32, #tpu.memory_space<vmem>>, vector<16xf32>,
      %swap3A_1370 = arith.constant 2 : i32
      %swap3A_1371 = arith.index_cast %swap3A_1370 : i32 to index
      %swap3A_1372 = arith.constant 96 : index
      %swap3A_1373 = tpu.vector_load %arg5[%swap3A_1371, %swap3A_1372] {strides = array<i32>} : memref<8x128xf32, #tpu.memory_space<vmem>>, vector<16xf32>,
      tpu.vector_store %arg5[%swap3A_1371, %swap3A_1372], %scan3A_1360#2 {strides = array<i32>} : memref<8x128xf32, #tpu.memory_space<vmem>>, vector<16xf32>,
      %swap3A_1374 = arith.constant 3 : i32
      %swap3A_1375 = arith.index_cast %swap3A_1374 : i32 to index
      %swap3A_1376 = arith.constant 96 : index
      %swap3A_1377 = tpu.vector_load %arg5[%swap3A_1375, %swap3A_1376] {strides = array<i32>} : memref<8x128xf32, #tpu.memory_space<vmem>>, vector<16xf32>,
      tpu.vector_store %arg5[%swap3A_1375, %swap3A_1376], %scan3A_1360#3 {strides = array<i32>} : memref<8x128xf32, #tpu.memory_space<vmem>>, vector<16xf32>,
      %swap3A_1378 = arith.constant 4 : i32
      %swap3A_1379 = arith.index_cast %swap3A_1378 : i32 to index
      %swap3A_1380 = arith.constant 96 : index
      %swap3A_1381 = tpu.vector_load %arg5[%swap3A_1379, %swap3A_1380] {strides = array<i32>} : memref<8x128xf32, #tpu.memory_space<vmem>>, vector<16xf32>,
      tpu.vector_store %arg5[%swap3A_1379, %swap3A_1380], %scan3A_1360#4 {strides = array<i32>} : memref<8x128xf32, #tpu.memory_space<vmem>>, vector<16xf32>,
      %swap3A_1382 = arith.constant 5 : i32
      %swap3A_1383 = arith.index_cast %swap3A_1382 : i32 to index
      %swap3A_1384 = arith.constant 96 : index
      %swap3A_1385 = tpu.vector_load %arg5[%swap3A_1383, %swap3A_1384] {strides = array<i32>} : memref<8x128xf32, #tpu.memory_space<vmem>>, vector<16xf32>,
      tpu.vector_store %arg5[%swap3A_1383, %swap3A_1384], %scan3A_1360#5 {strides = array<i32>} : memref<8x128xf32, #tpu.memory_space<vmem>>, vector<16xf32>,
      %swap3A_1386 = arith.constant 6 : i32
      %swap3A_1387 = arith.index_cast %swap3A_1386 : i32 to index
      %swap3A_1388 = arith.constant 96 : index
      %swap3A_1389 = tpu.vector_load %arg5[%swap3A_1387, %swap3A_1388] {strides = array<i32>} : memref<8x128xf32, #tpu.memory_space<vmem>>, vector<16xf32>,
      tpu.vector_store %arg5[%swap3A_1387, %swap3A_1388], %scan3A_1360#6 {strides = array<i32>} : memref<8x128xf32, #tpu.memory_space<vmem>>, vector<16xf32>,
      %swap3A_1390 = arith.constant 7 : i32
      %swap3A_1391 = arith.index_cast %swap3A_1390 : i32 to index
      %swap3A_1392 = arith.constant 96 : index
      %swap3A_1393 = tpu.vector_load %arg5[%swap3A_1391, %swap3A_1392] {strides = array<i32>} : memref<8x128xf32, #tpu.memory_space<vmem>>, vector<16xf32>,
      tpu.vector_store %arg5[%swap3A_1391, %swap3A_1392], %scan3A_1360#7 {strides = array<i32>} : memref<8x128xf32, #tpu.memory_space<vmem>>, vector<16xf32>,
      %get3A_1394 = arith.constant 0 : i32
      %get3A_1395 = arith.index_cast %get3A_1394 : i32 to index
      %get3A_1396 = arith.constant 112 : index
      %get3A_1397 = tpu.vector_load %arg5[%get3A_1395, %get3A_1396] {strides = array<i32>} : memref<8x128xf32, #tpu.memory_space<vmem>>, vector<16xf32>,
      %get3A_1398 = arith.constant 1 : i32
      %get3A_1399 = arith.index_cast %get3A_1398 : i32 to index
      %get3A_1400 = arith.constant 112 : index
      %get3A_1401 = tpu.vector_load %arg5[%get3A_1399, %get3A_1400] {strides = array<i32>} : memref<8x128xf32, #tpu.memory_space<vmem>>, vector<16xf32>,
      %get3A_1402 = arith.constant 2 : i32
      %get3A_1403 = arith.index_cast %get3A_1402 : i32 to index
      %get3A_1404 = arith.constant 112 : index
      %get3A_1405 = tpu.vector_load %arg5[%get3A_1403, %get3A_1404] {strides = array<i32>} : memref<8x128xf32, #tpu.memory_space<vmem>>, vector<16xf32>,
      %get3A_1406 = arith.constant 3 : i32
      %get3A_1407 = arith.index_cast %get3A_1406 : i32 to index
      %get3A_1408 = arith.constant 112 : index
      %get3A_1409 = tpu.vector_load %arg5[%get3A_1407, %get3A_1408] {strides = array<i32>} : memref<8x128xf32, #tpu.memory_space<vmem>>, vector<16xf32>,
      %get3A_1410 = arith.constant 4 : i32
      %get3A_1411 = arith.index_cast %get3A_1410 : i32 to index
      %get3A_1412 = arith.constant 112 : index
      %get3A_1413 = tpu.vector_load %arg5[%get3A_1411, %get3A_1412] {strides = array<i32>} : memref<8x128xf32, #tpu.memory_space<vmem>>, vector<16xf32>,
      %get3A_1414 = arith.constant 5 : i32
      %get3A_1415 = arith.index_cast %get3A_1414 : i32 to index
      %get3A_1416 = arith.constant 112 : index
      %get3A_1417 = tpu.vector_load %arg5[%get3A_1415, %get3A_1416] {strides = array<i32>} : memref<8x128xf32, #tpu.memory_space<vmem>>, vector<16xf32>,
      %get3A_1418 = arith.constant 6 : i32
      %get3A_1419 = arith.index_cast %get3A_1418 : i32 to index
      %get3A_1420 = arith.constant 112 : index
      %get3A_1421 = tpu.vector_load %arg5[%get3A_1419, %get3A_1420] {strides = array<i32>} : memref<8x128xf32, #tpu.memory_space<vmem>>, vector<16xf32>,
      %get3A_1422 = arith.constant 7 : i32
      %get3A_1423 = arith.index_cast %get3A_1422 : i32 to index
      %get3A_1424 = arith.constant 112 : index
      %get3A_1425 = tpu.vector_load %arg5[%get3A_1423, %get3A_1424] {strides = array<i32>} : memref<8x128xf32, #tpu.memory_space<vmem>>, vector<16xf32>,
      %scan3A_1426 = arith.constant 0 : i32
      %scan3A_1427 = arith.constant 256 : i32
      %scan3A_1428 = arith.addi %scan3A_1426, %scan3A_1427 : i32
      %scan3A_1429 = arith.constant 1 : i32
      %scan3A_1430:8 = scf.for %scan3A_1464 = %scan3A_1426 to %scan3A_1428 step %scan3A_1429 iter_args(%scan3A_1465 = %get3A_1397, %scan3A_1466 = %get3A_1401, %scan3A_1467 = %get3A_1405, %scan3A_1468 = %get3A_1409, %scan3A_1469 = %get3A_1413, %scan3A_1470 = %get3A_1417, %scan3A_1471 = %get3A_1421, %scan3A_1472 = %get3A_1425) -> (vector<16xf32>, vector<16xf32>, vector<16xf32>, vector<16xf32>, vector<16xf32>, vector<16xf32>, vector<16xf32>, vector<16xf32>)  : i32 {
        %get3A_1473 = arith.index_cast %scan3A_1464 : i32 to index
        %get3A_1474 = arith.constant 112 : index
        %get3A_1475 = tpu.vector_load %arg4[%get3A_1473, %get3A_1474] {strides = array<i32>} : memref<256x128xf32, #tpu.memory_space<vmem>>, vector<16xf32>,
        %max3A = arith.maximumf %scan3A_1465, %get3A_1475 : vector<16xf32>
        %min3A = arith.minimumf %scan3A_1465, %get3A_1475 : vector<16xf32>
        %max3A_1476 = arith.maximumf %scan3A_1466, %min3A : vector<16xf32>
        %min3A_1477 = arith.minimumf %scan3A_1466, %min3A : vector<16xf32>
        %max3A_1478 = arith.maximumf %scan3A_1467, %min3A_1477 : vector<16xf32>
        %min3A_1479 = arith.minimumf %scan3A_1467, %min3A_1477 : vector<16xf32>
        %max3A_1480 = arith.maximumf %scan3A_1468, %min3A_1479 : vector<16xf32>
        %min3A_1481 = arith.minimumf %scan3A_1468, %min3A_1479 : vector<16xf32>
        %max3A_1482 = arith.maximumf %scan3A_1469, %min3A_1481 : vector<16xf32>
        %min3A_1483 = arith.minimumf %scan3A_1469, %min3A_1481 : vector<16xf32>
        %max3A_1484 = arith.maximumf %scan3A_1470, %min3A_1483 : vector<16xf32>
        %min3A_1485 = arith.minimumf %scan3A_1470, %min3A_1483 : vector<16xf32>
        %max3A_1486 = arith.maximumf %scan3A_1471, %min3A_1485 : vector<16xf32>
        %min3A_1487 = arith.minimumf %scan3A_1471, %min3A_1485 : vector<16xf32>
        %max3A_1488 = arith.maximumf %scan3A_1472, %min3A_1487 : vector<16xf32>
        %min3A_1489 = arith.minimumf %scan3A_1472, %min3A_1487 : vector<16xf32>
        scf.yield %max3A, %max3A_1476, %max3A_1478, %max3A_1480, %max3A_1482, %max3A_1484, %max3A_1486, %max3A_1488 : vector<16xf32>, vector<16xf32>, vector<16xf32>, vector<16xf32>, vector<16xf32>, vector<16xf32>, vector<16xf32>, vector<16xf32>
      }
      %scan3A_1431 = arith.constant 256 : i32
      %swap3A_1432 = arith.constant 0 : i32
      %swap3A_1433 = arith.index_cast %swap3A_1432 : i32 to index
      %swap3A_1434 = arith.constant 112 : index
      %swap3A_1435 = tpu.vector_load %arg5[%swap3A_1433, %swap3A_1434] {strides = array<i32>} : memref<8x128xf32, #tpu.memory_space<vmem>>, vector<16xf32>,
      tpu.vector_store %arg5[%swap3A_1433, %swap3A_1434], %scan3A_1430#0 {strides = array<i32>} : memref<8x128xf32, #tpu.memory_space<vmem>>, vector<16xf32>,
      %swap3A_1436 = arith.constant 1 : i32
      %swap3A_1437 = arith.index_cast %swap3A_1436 : i32 to index
      %swap3A_1438 = arith.constant 112 : index
      %swap3A_1439 = tpu.vector_load %arg5[%swap3A_1437, %swap3A_1438] {strides = array<i32>} : memref<8x128xf32, #tpu.memory_space<vmem>>, vector<16xf32>,
      tpu.vector_store %arg5[%swap3A_1437, %swap3A_1438], %scan3A_1430#1 {strides = array<i32>} : memref<8x128xf32, #tpu.memory_space<vmem>>, vector<16xf32>,
      %swap3A_1440 = arith.constant 2 : i32
      %swap3A_1441 = arith.index_cast %swap3A_1440 : i32 to index
      %swap3A_1442 = arith.constant 112 : index
      %swap3A_1443 = tpu.vector_load %arg5[%swap3A_1441, %swap3A_1442] {strides = array<i32>} : memref<8x128xf32, #tpu.memory_space<vmem>>, vector<16xf32>,
      tpu.vector_store %arg5[%swap3A_1441, %swap3A_1442], %scan3A_1430#2 {strides = array<i32>} : memref<8x128xf32, #tpu.memory_space<vmem>>, vector<16xf32>,
      %swap3A_1444 = arith.constant 3 : i32
      %swap3A_1445 = arith.index_cast %swap3A_1444 : i32 to index
      %swap3A_1446 = arith.constant 112 : index
      %swap3A_1447 = tpu.vector_load %arg5[%swap3A_1445, %swap3A_1446] {strides = array<i32>} : memref<8x128xf32, #tpu.memory_space<vmem>>, vector<16xf32>,
      tpu.vector_store %arg5[%swap3A_1445, %swap3A_1446], %scan3A_1430#3 {strides = array<i32>} : memref<8x128xf32, #tpu.memory_space<vmem>>, vector<16xf32>,
      %swap3A_1448 = arith.constant 4 : i32
      %swap3A_1449 = arith.index_cast %swap3A_1448 : i32 to index
      %swap3A_1450 = arith.constant 112 : index
      %swap3A_1451 = tpu.vector_load %arg5[%swap3A_1449, %swap3A_1450] {strides = array<i32>} : memref<8x128xf32, #tpu.memory_space<vmem>>, vector<16xf32>,
      tpu.vector_store %arg5[%swap3A_1449, %swap3A_1450], %scan3A_1430#4 {strides = array<i32>} : memref<8x128xf32, #tpu.memory_space<vmem>>, vector<16xf32>,
      %swap3A_1452 = arith.constant 5 : i32
      %swap3A_1453 = arith.index_cast %swap3A_1452 : i32 to index
      %swap3A_1454 = arith.constant 112 : index
      %swap3A_1455 = tpu.vector_load %arg5[%swap3A_1453, %swap3A_1454] {strides = array<i32>} : memref<8x128xf32, #tpu.memory_space<vmem>>, vector<16xf32>,
      tpu.vector_store %arg5[%swap3A_1453, %swap3A_1454], %scan3A_1430#5 {strides = array<i32>} : memref<8x128xf32, #tpu.memory_space<vmem>>, vector<16xf32>,
      %swap3A_1456 = arith.constant 6 : i32
      %swap3A_1457 = arith.index_cast %swap3A_1456 : i32 to index
      %swap3A_1458 = arith.constant 112 : index
      %swap3A_1459 = tpu.vector_load %arg5[%swap3A_1457, %swap3A_1458] {strides = array<i32>} : memref<8x128xf32, #tpu.memory_space<vmem>>, vector<16xf32>,
      tpu.vector_store %arg5[%swap3A_1457, %swap3A_1458], %scan3A_1430#6 {strides = array<i32>} : memref<8x128xf32, #tpu.memory_space<vmem>>, vector<16xf32>,
      %swap3A_1460 = arith.constant 7 : i32
      %swap3A_1461 = arith.index_cast %swap3A_1460 : i32 to index
      %swap3A_1462 = arith.constant 112 : index
      %swap3A_1463 = tpu.vector_load %arg5[%swap3A_1461, %swap3A_1462] {strides = array<i32>} : memref<8x128xf32, #tpu.memory_space<vmem>>, vector<16xf32>,
      tpu.vector_store %arg5[%swap3A_1461, %swap3A_1462], %scan3A_1430#7 {strides = array<i32>} : memref<8x128xf32, #tpu.memory_space<vmem>>, vector<16xf32>,
    }
    %scan3A_261 = arith.constant 32 : i32
    %iota3A = tpu.iota {dimensions = array<i32: 0>} : vector<16xi32>
    %get3A = arith.constant 0 : i32
    %get3A_262 = arith.index_cast %get3A : i32 to index
    %get3A_263 = arith.constant 0 : index
    %get3A_264 = tpu.vector_load %arg5[%get3A_262, %get3A_263] {strides = array<i32>} : memref<8x128xf32, #tpu.memory_space<vmem>>, vector<16xf32>,
    %mul3A_265 = arith.constant 8 : i32
    %mul3A_266 = vector.broadcast %mul3A_265 : i32 to vector<16xi32>
    %mul3A_267 = arith.muli %iota3A, %mul3A_266 : vector<16xi32>
    %add3A_268 = arith.constant 0 : i32
    %add3A_269 = vector.broadcast %add3A_268 : i32 to vector<16xi32>
    %add3A_270 = arith.addi %mul3A_267, %add3A_269 : vector<16xi32>
    tpu.vector_store_idx %arg6[%add3A_270], %get3A_264 : memref<1024xf32, #tpu.memory_space<vmem>>[vector<16xi32>], vector<16xf32>,
    %get3A_271 = arith.constant 1 : i32
    %get3A_272 = arith.index_cast %get3A_271 : i32 to index
    %get3A_273 = arith.constant 0 : index
    %get3A_274 = tpu.vector_load %arg5[%get3A_272, %get3A_273] {strides = array<i32>} : memref<8x128xf32, #tpu.memory_space<vmem>>, vector<16xf32>,
    %mul3A_275 = arith.constant 8 : i32
    %mul3A_276 = vector.broadcast %mul3A_275 : i32 to vector<16xi32>
    %mul3A_277 = arith.muli %iota3A, %mul3A_276 : vector<16xi32>
    %add3A_278 = arith.constant 1 : i32
    %add3A_279 = vector.broadcast %add3A_278 : i32 to vector<16xi32>
    %add3A_280 = arith.addi %mul3A_277, %add3A_279 : vector<16xi32>
    tpu.vector_store_idx %arg6[%add3A_280], %get3A_274 : memref<1024xf32, #tpu.memory_space<vmem>>[vector<16xi32>], vector<16xf32>,
    %get3A_281 = arith.constant 2 : i32
    %get3A_282 = arith.index_cast %get3A_281 : i32 to index
    %get3A_283 = arith.constant 0 : index
    %get3A_284 = tpu.vector_load %arg5[%get3A_282, %get3A_283] {strides = array<i32>} : memref<8x128xf32, #tpu.memory_space<vmem>>, vector<16xf32>,
    %mul3A_285 = arith.constant 8 : i32
    %mul3A_286 = vector.broadcast %mul3A_285 : i32 to vector<16xi32>
    %mul3A_287 = arith.muli %iota3A, %mul3A_286 : vector<16xi32>
    %add3A_288 = arith.constant 2 : i32
    %add3A_289 = vector.broadcast %add3A_288 : i32 to vector<16xi32>
    %add3A_290 = arith.addi %mul3A_287, %add3A_289 : vector<16xi32>
    tpu.vector_store_idx %arg6[%add3A_290], %get3A_284 : memref<1024xf32, #tpu.memory_space<vmem>>[vector<16xi32>], vector<16xf32>,
    %get3A_291 = arith.constant 3 : i32
    %get3A_292 = arith.index_cast %get3A_291 : i32 to index
    %get3A_293 = arith.constant 0 : index
    %get3A_294 = tpu.vector_load %arg5[%get3A_292, %get3A_293] {strides = array<i32>} : memref<8x128xf32, #tpu.memory_space<vmem>>, vector<16xf32>,
    %mul3A_295 = arith.constant 8 : i32
    %mul3A_296 = vector.broadcast %mul3A_295 : i32 to vector<16xi32>
    %mul3A_297 = arith.muli %iota3A, %mul3A_296 : vector<16xi32>
    %add3A_298 = arith.constant 3 : i32
    %add3A_299 = vector.broadcast %add3A_298 : i32 to vector<16xi32>
    %add3A_300 = arith.addi %mul3A_297, %add3A_299 : vector<16xi32>
    tpu.vector_store_idx %arg6[%add3A_300], %get3A_294 : memref<1024xf32, #tpu.memory_space<vmem>>[vector<16xi32>], vector<16xf32>,
    %get3A_301 = arith.constant 4 : i32
    %get3A_302 = arith.index_cast %get3A_301 : i32 to index
    %get3A_303 = arith.constant 0 : index
    %get3A_304 = tpu.vector_load %arg5[%get3A_302, %get3A_303] {strides = array<i32>} : memref<8x128xf32, #tpu.memory_space<vmem>>, vector<16xf32>,
    %mul3A_305 = arith.constant 8 : i32
    %mul3A_306 = vector.broadcast %mul3A_305 : i32 to vector<16xi32>
    %mul3A_307 = arith.muli %iota3A, %mul3A_306 : vector<16xi32>
    %add3A_308 = arith.constant 4 : i32
    %add3A_309 = vector.broadcast %add3A_308 : i32 to vector<16xi32>
    %add3A_310 = arith.addi %mul3A_307, %add3A_309 : vector<16xi32>
    tpu.vector_store_idx %arg6[%add3A_310], %get3A_304 : memref<1024xf32, #tpu.memory_space<vmem>>[vector<16xi32>], vector<16xf32>,
    %get3A_311 = arith.constant 5 : i32
    %get3A_312 = arith.index_cast %get3A_311 : i32 to index
    %get3A_313 = arith.constant 0 : index
    %get3A_314 = tpu.vector_load %arg5[%get3A_312, %get3A_313] {strides = array<i32>} : memref<8x128xf32, #tpu.memory_space<vmem>>, vector<16xf32>,
    %mul3A_315 = arith.constant 8 : i32
    %mul3A_316 = vector.broadcast %mul3A_315 : i32 to vector<16xi32>
    %mul3A_317 = arith.muli %iota3A, %mul3A_316 : vector<16xi32>
    %add3A_318 = arith.constant 5 : i32
    %add3A_319 = vector.broadcast %add3A_318 : i32 to vector<16xi32>
    %add3A_320 = arith.addi %mul3A_317, %add3A_319 : vector<16xi32>
    tpu.vector_store_idx %arg6[%add3A_320], %get3A_314 : memref<1024xf32, #tpu.memory_space<vmem>>[vector<16xi32>], vector<16xf32>,
    %get3A_321 = arith.constant 6 : i32
    %get3A_322 = arith.index_cast %get3A_321 : i32 to index
    %get3A_323 = arith.constant 0 : index
    %get3A_324 = tpu.vector_load %arg5[%get3A_322, %get3A_323] {strides = array<i32>} : memref<8x128xf32, #tpu.memory_space<vmem>>, vector<16xf32>,
    %mul3A_325 = arith.constant 8 : i32
    %mul3A_326 = vector.broadcast %mul3A_325 : i32 to vector<16xi32>
    %mul3A_327 = arith.muli %iota3A, %mul3A_326 : vector<16xi32>
    %add3A_328 = arith.constant 6 : i32
    %add3A_329 = vector.broadcast %add3A_328 : i32 to vector<16xi32>
    %add3A_330 = arith.addi %mul3A_327, %add3A_329 : vector<16xi32>
    tpu.vector_store_idx %arg6[%add3A_330], %get3A_324 : memref<1024xf32, #tpu.memory_space<vmem>>[vector<16xi32>], vector<16xf32>,
    %get3A_331 = arith.constant 7 : i32
    %get3A_332 = arith.index_cast %get3A_331 : i32 to index
    %get3A_333 = arith.constant 0 : index
    %get3A_334 = tpu.vector_load %arg5[%get3A_332, %get3A_333] {strides = array<i32>} : memref<8x128xf32, #tpu.memory_space<vmem>>, vector<16xf32>,
    %mul3A_335 = arith.constant 8 : i32
    %mul3A_336 = vector.broadcast %mul3A_335 : i32 to vector<16xi32>
    %mul3A_337 = arith.muli %iota3A, %mul3A_336 : vector<16xi32>
    %add3A_338 = arith.constant 7 : i32
    %add3A_339 = vector.broadcast %add3A_338 : i32 to vector<16xi32>
    %add3A_340 = arith.addi %mul3A_337, %add3A_339 : vector<16xi32>
    tpu.vector_store_idx %arg6[%add3A_340], %get3A_334 : memref<1024xf32, #tpu.memory_space<vmem>>[vector<16xi32>], vector<16xf32>,
    %get3A_341 = arith.constant 0 : i32
    %get3A_342 = arith.index_cast %get3A_341 : i32 to index
    %get3A_343 = arith.constant 16 : index
    %get3A_344 = tpu.vector_load %arg5[%get3A_342, %get3A_343] {strides = array<i32>} : memref<8x128xf32, #tpu.memory_space<vmem>>, vector<16xf32>,
    %mul3A_345 = arith.constant 8 : i32
    %mul3A_346 = vector.broadcast %mul3A_345 : i32 to vector<16xi32>
    %mul3A_347 = arith.muli %iota3A, %mul3A_346 : vector<16xi32>
    %add3A_348 = arith.constant 128 : i32
    %add3A_349 = vector.broadcast %add3A_348 : i32 to vector<16xi32>
    %add3A_350 = arith.addi %mul3A_347, %add3A_349 : vector<16xi32>
    tpu.vector_store_idx %arg6[%add3A_350], %get3A_344 : memref<1024xf32, #tpu.memory_space<vmem>>[vector<16xi32>], vector<16xf32>,
    %get3A_351 = arith.constant 1 : i32
    %get3A_352 = arith.index_cast %get3A_351 : i32 to index
    %get3A_353 = arith.constant 16 : index
    %get3A_354 = tpu.vector_load %arg5[%get3A_352, %get3A_353] {strides = array<i32>} : memref<8x128xf32, #tpu.memory_space<vmem>>, vector<16xf32>,
    %mul3A_355 = arith.constant 8 : i32
    %mul3A_356 = vector.broadcast %mul3A_355 : i32 to vector<16xi32>
    %mul3A_357 = arith.muli %iota3A, %mul3A_356 : vector<16xi32>
    %add3A_358 = arith.constant 129 : i32
    %add3A_359 = vector.broadcast %add3A_358 : i32 to vector<16xi32>
    %add3A_360 = arith.addi %mul3A_357, %add3A_359 : vector<16xi32>
    tpu.vector_store_idx %arg6[%add3A_360], %get3A_354 : memref<1024xf32, #tpu.memory_space<vmem>>[vector<16xi32>], vector<16xf32>,
    %get3A_361 = arith.constant 2 : i32
    %get3A_362 = arith.index_cast %get3A_361 : i32 to index
    %get3A_363 = arith.constant 16 : index
    %get3A_364 = tpu.vector_load %arg5[%get3A_362, %get3A_363] {strides = array<i32>} : memref<8x128xf32, #tpu.memory_space<vmem>>, vector<16xf32>,
    %mul3A_365 = arith.constant 8 : i32
    %mul3A_366 = vector.broadcast %mul3A_365 : i32 to vector<16xi32>
    %mul3A_367 = arith.muli %iota3A, %mul3A_366 : vector<16xi32>
    %add3A_368 = arith.constant 130 : i32
    %add3A_369 = vector.broadcast %add3A_368 : i32 to vector<16xi32>
    %add3A_370 = arith.addi %mul3A_367, %add3A_369 : vector<16xi32>
    tpu.vector_store_idx %arg6[%add3A_370], %get3A_364 : memref<1024xf32, #tpu.memory_space<vmem>>[vector<16xi32>], vector<16xf32>,
    %get3A_371 = arith.constant 3 : i32
    %get3A_372 = arith.index_cast %get3A_371 : i32 to index
    %get3A_373 = arith.constant 16 : index
    %get3A_374 = tpu.vector_load %arg5[%get3A_372, %get3A_373] {strides = array<i32>} : memref<8x128xf32, #tpu.memory_space<vmem>>, vector<16xf32>,
    %mul3A_375 = arith.constant 8 : i32
    %mul3A_376 = vector.broadcast %mul3A_375 : i32 to vector<16xi32>
    %mul3A_377 = arith.muli %iota3A, %mul3A_376 : vector<16xi32>
    %add3A_378 = arith.constant 131 : i32
    %add3A_379 = vector.broadcast %add3A_378 : i32 to vector<16xi32>
    %add3A_380 = arith.addi %mul3A_377, %add3A_379 : vector<16xi32>
    tpu.vector_store_idx %arg6[%add3A_380], %get3A_374 : memref<1024xf32, #tpu.memory_space<vmem>>[vector<16xi32>], vector<16xf32>,
    %get3A_381 = arith.constant 4 : i32
    %get3A_382 = arith.index_cast %get3A_381 : i32 to index
    %get3A_383 = arith.constant 16 : index
    %get3A_384 = tpu.vector_load %arg5[%get3A_382, %get3A_383] {strides = array<i32>} : memref<8x128xf32, #tpu.memory_space<vmem>>, vector<16xf32>,
    %mul3A_385 = arith.constant 8 : i32
    %mul3A_386 = vector.broadcast %mul3A_385 : i32 to vector<16xi32>
    %mul3A_387 = arith.muli %iota3A, %mul3A_386 : vector<16xi32>
    %add3A_388 = arith.constant 132 : i32
    %add3A_389 = vector.broadcast %add3A_388 : i32 to vector<16xi32>
    %add3A_390 = arith.addi %mul3A_387, %add3A_389 : vector<16xi32>
    tpu.vector_store_idx %arg6[%add3A_390], %get3A_384 : memref<1024xf32, #tpu.memory_space<vmem>>[vector<16xi32>], vector<16xf32>,
    %get3A_391 = arith.constant 5 : i32
    %get3A_392 = arith.index_cast %get3A_391 : i32 to index
    %get3A_393 = arith.constant 16 : index
    %get3A_394 = tpu.vector_load %arg5[%get3A_392, %get3A_393] {strides = array<i32>} : memref<8x128xf32, #tpu.memory_space<vmem>>, vector<16xf32>,
    %mul3A_395 = arith.constant 8 : i32
    %mul3A_396 = vector.broadcast %mul3A_395 : i32 to vector<16xi32>
    %mul3A_397 = arith.muli %iota3A, %mul3A_396 : vector<16xi32>
    %add3A_398 = arith.constant 133 : i32
    %add3A_399 = vector.broadcast %add3A_398 : i32 to vector<16xi32>
    %add3A_400 = arith.addi %mul3A_397, %add3A_399 : vector<16xi32>
    tpu.vector_store_idx %arg6[%add3A_400], %get3A_394 : memref<1024xf32, #tpu.memory_space<vmem>>[vector<16xi32>], vector<16xf32>,
    %get3A_401 = arith.constant 6 : i32
    %get3A_402 = arith.index_cast %get3A_401 : i32 to index
    %get3A_403 = arith.constant 16 : index
    %get3A_404 = tpu.vector_load %arg5[%get3A_402, %get3A_403] {strides = array<i32>} : memref<8x128xf32, #tpu.memory_space<vmem>>, vector<16xf32>,
    %mul3A_405 = arith.constant 8 : i32
    %mul3A_406 = vector.broadcast %mul3A_405 : i32 to vector<16xi32>
    %mul3A_407 = arith.muli %iota3A, %mul3A_406 : vector<16xi32>
    %add3A_408 = arith.constant 134 : i32
    %add3A_409 = vector.broadcast %add3A_408 : i32 to vector<16xi32>
    %add3A_410 = arith.addi %mul3A_407, %add3A_409 : vector<16xi32>
    tpu.vector_store_idx %arg6[%add3A_410], %get3A_404 : memref<1024xf32, #tpu.memory_space<vmem>>[vector<16xi32>], vector<16xf32>,
    %get3A_411 = arith.constant 7 : i32
    %get3A_412 = arith.index_cast %get3A_411 : i32 to index
    %get3A_413 = arith.constant 16 : index
    %get3A_414 = tpu.vector_load %arg5[%get3A_412, %get3A_413] {strides = array<i32>} : memref<8x128xf32, #tpu.memory_space<vmem>>, vector<16xf32>,
    %mul3A_415 = arith.constant 8 : i32
    %mul3A_416 = vector.broadcast %mul3A_415 : i32 to vector<16xi32>
    %mul3A_417 = arith.muli %iota3A, %mul3A_416 : vector<16xi32>
    %add3A_418 = arith.constant 135 : i32
    %add3A_419 = vector.broadcast %add3A_418 : i32 to vector<16xi32>
    %add3A_420 = arith.addi %mul3A_417, %add3A_419 : vector<16xi32>
    tpu.vector_store_idx %arg6[%add3A_420], %get3A_414 : memref<1024xf32, #tpu.memory_space<vmem>>[vector<16xi32>], vector<16xf32>,
    %get3A_421 = arith.constant 0 : i32
    %get3A_422 = arith.index_cast %get3A_421 : i32 to index
    %get3A_423 = arith.constant 32 : index
    %get3A_424 = tpu.vector_load %arg5[%get3A_422, %get3A_423] {strides = array<i32>} : memref<8x128xf32, #tpu.memory_space<vmem>>, vector<16xf32>,
    %mul3A_425 = arith.constant 8 : i32
    %mul3A_426 = vector.broadcast %mul3A_425 : i32 to vector<16xi32>
    %mul3A_427 = arith.muli %iota3A, %mul3A_426 : vector<16xi32>
    %add3A_428 = arith.constant 256 : i32
    %add3A_429 = vector.broadcast %add3A_428 : i32 to vector<16xi32>
    %add3A_430 = arith.addi %mul3A_427, %add3A_429 : vector<16xi32>
    tpu.vector_store_idx %arg6[%add3A_430], %get3A_424 : memref<1024xf32, #tpu.memory_space<vmem>>[vector<16xi32>], vector<16xf32>,
    %get3A_431 = arith.constant 1 : i32
    %get3A_432 = arith.index_cast %get3A_431 : i32 to index
    %get3A_433 = arith.constant 32 : index
    %get3A_434 = tpu.vector_load %arg5[%get3A_432, %get3A_433] {strides = array<i32>} : memref<8x128xf32, #tpu.memory_space<vmem>>, vector<16xf32>,
    %mul3A_435 = arith.constant 8 : i32
    %mul3A_436 = vector.broadcast %mul3A_435 : i32 to vector<16xi32>
    %mul3A_437 = arith.muli %iota3A, %mul3A_436 : vector<16xi32>
    %add3A_438 = arith.constant 257 : i32
    %add3A_439 = vector.broadcast %add3A_438 : i32 to vector<16xi32>
    %add3A_440 = arith.addi %mul3A_437, %add3A_439 : vector<16xi32>
    tpu.vector_store_idx %arg6[%add3A_440], %get3A_434 : memref<1024xf32, #tpu.memory_space<vmem>>[vector<16xi32>], vector<16xf32>,
    %get3A_441 = arith.constant 2 : i32
    %get3A_442 = arith.index_cast %get3A_441 : i32 to index
    %get3A_443 = arith.constant 32 : index
    %get3A_444 = tpu.vector_load %arg5[%get3A_442, %get3A_443] {strides = array<i32>} : memref<8x128xf32, #tpu.memory_space<vmem>>, vector<16xf32>,
    %mul3A_445 = arith.constant 8 : i32
    %mul3A_446 = vector.broadcast %mul3A_445 : i32 to vector<16xi32>
    %mul3A_447 = arith.muli %iota3A, %mul3A_446 : vector<16xi32>
    %add3A_448 = arith.constant 258 : i32
    %add3A_449 = vector.broadcast %add3A_448 : i32 to vector<16xi32>
    %add3A_450 = arith.addi %mul3A_447, %add3A_449 : vector<16xi32>
    tpu.vector_store_idx %arg6[%add3A_450], %get3A_444 : memref<1024xf32, #tpu.memory_space<vmem>>[vector<16xi32>], vector<16xf32>,
    %get3A_451 = arith.constant 3 : i32
    %get3A_452 = arith.index_cast %get3A_451 : i32 to index
    %get3A_453 = arith.constant 32 : index
    %get3A_454 = tpu.vector_load %arg5[%get3A_452, %get3A_453] {strides = array<i32>} : memref<8x128xf32, #tpu.memory_space<vmem>>, vector<16xf32>,
    %mul3A_455 = arith.constant 8 : i32
    %mul3A_456 = vector.broadcast %mul3A_455 : i32 to vector<16xi32>
    %mul3A_457 = arith.muli %iota3A, %mul3A_456 : vector<16xi32>
    %add3A_458 = arith.constant 259 : i32
    %add3A_459 = vector.broadcast %add3A_458 : i32 to vector<16xi32>
    %add3A_460 = arith.addi %mul3A_457, %add3A_459 : vector<16xi32>
    tpu.vector_store_idx %arg6[%add3A_460], %get3A_454 : memref<1024xf32, #tpu.memory_space<vmem>>[vector<16xi32>], vector<16xf32>,
    %get3A_461 = arith.constant 4 : i32
    %get3A_462 = arith.index_cast %get3A_461 : i32 to index
    %get3A_463 = arith.constant 32 : index
    %get3A_464 = tpu.vector_load %arg5[%get3A_462, %get3A_463] {strides = array<i32>} : memref<8x128xf32, #tpu.memory_space<vmem>>, vector<16xf32>,
    %mul3A_465 = arith.constant 8 : i32
    %mul3A_466 = vector.broadcast %mul3A_465 : i32 to vector<16xi32>
    %mul3A_467 = arith.muli %iota3A, %mul3A_466 : vector<16xi32>
    %add3A_468 = arith.constant 260 : i32
    %add3A_469 = vector.broadcast %add3A_468 : i32 to vector<16xi32>
    %add3A_470 = arith.addi %mul3A_467, %add3A_469 : vector<16xi32>
    tpu.vector_store_idx %arg6[%add3A_470], %get3A_464 : memref<1024xf32, #tpu.memory_space<vmem>>[vector<16xi32>], vector<16xf32>,
    %get3A_471 = arith.constant 5 : i32
    %get3A_472 = arith.index_cast %get3A_471 : i32 to index
    %get3A_473 = arith.constant 32 : index
    %get3A_474 = tpu.vector_load %arg5[%get3A_472, %get3A_473] {strides = array<i32>} : memref<8x128xf32, #tpu.memory_space<vmem>>, vector<16xf32>,
    %mul3A_475 = arith.constant 8 : i32
    %mul3A_476 = vector.broadcast %mul3A_475 : i32 to vector<16xi32>
    %mul3A_477 = arith.muli %iota3A, %mul3A_476 : vector<16xi32>
    %add3A_478 = arith.constant 261 : i32
    %add3A_479 = vector.broadcast %add3A_478 : i32 to vector<16xi32>
    %add3A_480 = arith.addi %mul3A_477, %add3A_479 : vector<16xi32>
    tpu.vector_store_idx %arg6[%add3A_480], %get3A_474 : memref<1024xf32, #tpu.memory_space<vmem>>[vector<16xi32>], vector<16xf32>,
    %get3A_481 = arith.constant 6 : i32
    %get3A_482 = arith.index_cast %get3A_481 : i32 to index
    %get3A_483 = arith.constant 32 : index
    %get3A_484 = tpu.vector_load %arg5[%get3A_482, %get3A_483] {strides = array<i32>} : memref<8x128xf32, #tpu.memory_space<vmem>>, vector<16xf32>,
    %mul3A_485 = arith.constant 8 : i32
    %mul3A_486 = vector.broadcast %mul3A_485 : i32 to vector<16xi32>
    %mul3A_487 = arith.muli %iota3A, %mul3A_486 : vector<16xi32>
    %add3A_488 = arith.constant 262 : i32
    %add3A_489 = vector.broadcast %add3A_488 : i32 to vector<16xi32>
    %add3A_490 = arith.addi %mul3A_487, %add3A_489 : vector<16xi32>
    tpu.vector_store_idx %arg6[%add3A_490], %get3A_484 : memref<1024xf32, #tpu.memory_space<vmem>>[vector<16xi32>], vector<16xf32>,
    %get3A_491 = arith.constant 7 : i32
    %get3A_492 = arith.index_cast %get3A_491 : i32 to index
    %get3A_493 = arith.constant 32 : index
    %get3A_494 = tpu.vector_load %arg5[%get3A_492, %get3A_493] {strides = array<i32>} : memref<8x128xf32, #tpu.memory_space<vmem>>, vector<16xf32>,
    %mul3A_495 = arith.constant 8 : i32
    %mul3A_496 = vector.broadcast %mul3A_495 : i32 to vector<16xi32>
    %mul3A_497 = arith.muli %iota3A, %mul3A_496 : vector<16xi32>
    %add3A_498 = arith.constant 263 : i32
    %add3A_499 = vector.broadcast %add3A_498 : i32 to vector<16xi32>
    %add3A_500 = arith.addi %mul3A_497, %add3A_499 : vector<16xi32>
    tpu.vector_store_idx %arg6[%add3A_500], %get3A_494 : memref<1024xf32, #tpu.memory_space<vmem>>[vector<16xi32>], vector<16xf32>,
    %get3A_501 = arith.constant 0 : i32
    %get3A_502 = arith.index_cast %get3A_501 : i32 to index
    %get3A_503 = arith.constant 48 : index
    %get3A_504 = tpu.vector_load %arg5[%get3A_502, %get3A_503] {strides = array<i32>} : memref<8x128xf32, #tpu.memory_space<vmem>>, vector<16xf32>,
    %mul3A_505 = arith.constant 8 : i32
    %mul3A_506 = vector.broadcast %mul3A_505 : i32 to vector<16xi32>
    %mul3A_507 = arith.muli %iota3A, %mul3A_506 : vector<16xi32>
    %add3A_508 = arith.constant 384 : i32
    %add3A_509 = vector.broadcast %add3A_508 : i32 to vector<16xi32>
    %add3A_510 = arith.addi %mul3A_507, %add3A_509 : vector<16xi32>
    tpu.vector_store_idx %arg6[%add3A_510], %get3A_504 : memref<1024xf32, #tpu.memory_space<vmem>>[vector<16xi32>], vector<16xf32>,
    %get3A_511 = arith.constant 1 : i32
    %get3A_512 = arith.index_cast %get3A_511 : i32 to index
    %get3A_513 = arith.constant 48 : index
    %get3A_514 = tpu.vector_load %arg5[%get3A_512, %get3A_513] {strides = array<i32>} : memref<8x128xf32, #tpu.memory_space<vmem>>, vector<16xf32>,
    %mul3A_515 = arith.constant 8 : i32
    %mul3A_516 = vector.broadcast %mul3A_515 : i32 to vector<16xi32>
    %mul3A_517 = arith.muli %iota3A, %mul3A_516 : vector<16xi32>
    %add3A_518 = arith.constant 385 : i32
    %add3A_519 = vector.broadcast %add3A_518 : i32 to vector<16xi32>
    %add3A_520 = arith.addi %mul3A_517, %add3A_519 : vector<16xi32>
    tpu.vector_store_idx %arg6[%add3A_520], %get3A_514 : memref<1024xf32, #tpu.memory_space<vmem>>[vector<16xi32>], vector<16xf32>,
    %get3A_521 = arith.constant 2 : i32
    %get3A_522 = arith.index_cast %get3A_521 : i32 to index
    %get3A_523 = arith.constant 48 : index
    %get3A_524 = tpu.vector_load %arg5[%get3A_522, %get3A_523] {strides = array<i32>} : memref<8x128xf32, #tpu.memory_space<vmem>>, vector<16xf32>,
    %mul3A_525 = arith.constant 8 : i32
    %mul3A_526 = vector.broadcast %mul3A_525 : i32 to vector<16xi32>
    %mul3A_527 = arith.muli %iota3A, %mul3A_526 : vector<16xi32>
    %add3A_528 = arith.constant 386 : i32
    %add3A_529 = vector.broadcast %add3A_528 : i32 to vector<16xi32>
    %add3A_530 = arith.addi %mul3A_527, %add3A_529 : vector<16xi32>
    tpu.vector_store_idx %arg6[%add3A_530], %get3A_524 : memref<1024xf32, #tpu.memory_space<vmem>>[vector<16xi32>], vector<16xf32>,
    %get3A_531 = arith.constant 3 : i32
    %get3A_532 = arith.index_cast %get3A_531 : i32 to index
    %get3A_533 = arith.constant 48 : index
    %get3A_534 = tpu.vector_load %arg5[%get3A_532, %get3A_533] {strides = array<i32>} : memref<8x128xf32, #tpu.memory_space<vmem>>, vector<16xf32>,
    %mul3A_535 = arith.constant 8 : i32
    %mul3A_536 = vector.broadcast %mul3A_535 : i32 to vector<16xi32>
    %mul3A_537 = arith.muli %iota3A, %mul3A_536 : vector<16xi32>
    %add3A_538 = arith.constant 387 : i32
    %add3A_539 = vector.broadcast %add3A_538 : i32 to vector<16xi32>
    %add3A_540 = arith.addi %mul3A_537, %add3A_539 : vector<16xi32>
    tpu.vector_store_idx %arg6[%add3A_540], %get3A_534 : memref<1024xf32, #tpu.memory_space<vmem>>[vector<16xi32>], vector<16xf32>,
    %get3A_541 = arith.constant 4 : i32
    %get3A_542 = arith.index_cast %get3A_541 : i32 to index
    %get3A_543 = arith.constant 48 : index
    %get3A_544 = tpu.vector_load %arg5[%get3A_542, %get3A_543] {strides = array<i32>} : memref<8x128xf32, #tpu.memory_space<vmem>>, vector<16xf32>,
    %mul3A_545 = arith.constant 8 : i32
    %mul3A_546 = vector.broadcast %mul3A_545 : i32 to vector<16xi32>
    %mul3A_547 = arith.muli %iota3A, %mul3A_546 : vector<16xi32>
    %add3A_548 = arith.constant 388 : i32
    %add3A_549 = vector.broadcast %add3A_548 : i32 to vector<16xi32>
    %add3A_550 = arith.addi %mul3A_547, %add3A_549 : vector<16xi32>
    tpu.vector_store_idx %arg6[%add3A_550], %get3A_544 : memref<1024xf32, #tpu.memory_space<vmem>>[vector<16xi32>], vector<16xf32>,
    %get3A_551 = arith.constant 5 : i32
    %get3A_552 = arith.index_cast %get3A_551 : i32 to index
    %get3A_553 = arith.constant 48 : index
    %get3A_554 = tpu.vector_load %arg5[%get3A_552, %get3A_553] {strides = array<i32>} : memref<8x128xf32, #tpu.memory_space<vmem>>, vector<16xf32>,
    %mul3A_555 = arith.constant 8 : i32
    %mul3A_556 = vector.broadcast %mul3A_555 : i32 to vector<16xi32>
    %mul3A_557 = arith.muli %iota3A, %mul3A_556 : vector<16xi32>
    %add3A_558 = arith.constant 389 : i32
    %add3A_559 = vector.broadcast %add3A_558 : i32 to vector<16xi32>
    %add3A_560 = arith.addi %mul3A_557, %add3A_559 : vector<16xi32>
    tpu.vector_store_idx %arg6[%add3A_560], %get3A_554 : memref<1024xf32, #tpu.memory_space<vmem>>[vector<16xi32>], vector<16xf32>,
    %get3A_561 = arith.constant 6 : i32
    %get3A_562 = arith.index_cast %get3A_561 : i32 to index
    %get3A_563 = arith.constant 48 : index
    %get3A_564 = tpu.vector_load %arg5[%get3A_562, %get3A_563] {strides = array<i32>} : memref<8x128xf32, #tpu.memory_space<vmem>>, vector<16xf32>,
    %mul3A_565 = arith.constant 8 : i32
    %mul3A_566 = vector.broadcast %mul3A_565 : i32 to vector<16xi32>
    %mul3A_567 = arith.muli %iota3A, %mul3A_566 : vector<16xi32>
    %add3A_568 = arith.constant 390 : i32
    %add3A_569 = vector.broadcast %add3A_568 : i32 to vector<16xi32>
    %add3A_570 = arith.addi %mul3A_567, %add3A_569 : vector<16xi32>
    tpu.vector_store_idx %arg6[%add3A_570], %get3A_564 : memref<1024xf32, #tpu.memory_space<vmem>>[vector<16xi32>], vector<16xf32>,
    %get3A_571 = arith.constant 7 : i32
    %get3A_572 = arith.index_cast %get3A_571 : i32 to index
    %get3A_573 = arith.constant 48 : index
    %get3A_574 = tpu.vector_load %arg5[%get3A_572, %get3A_573] {strides = array<i32>} : memref<8x128xf32, #tpu.memory_space<vmem>>, vector<16xf32>,
    %mul3A_575 = arith.constant 8 : i32
    %mul3A_576 = vector.broadcast %mul3A_575 : i32 to vector<16xi32>
    %mul3A_577 = arith.muli %iota3A, %mul3A_576 : vector<16xi32>
    %add3A_578 = arith.constant 391 : i32
    %add3A_579 = vector.broadcast %add3A_578 : i32 to vector<16xi32>
    %add3A_580 = arith.addi %mul3A_577, %add3A_579 : vector<16xi32>
    tpu.vector_store_idx %arg6[%add3A_580], %get3A_574 : memref<1024xf32, #tpu.memory_space<vmem>>[vector<16xi32>], vector<16xf32>,
    %get3A_581 = arith.constant 0 : i32
    %get3A_582 = arith.index_cast %get3A_581 : i32 to index
    %get3A_583 = arith.constant 64 : index
    %get3A_584 = tpu.vector_load %arg5[%get3A_582, %get3A_583] {strides = array<i32>} : memref<8x128xf32, #tpu.memory_space<vmem>>, vector<16xf32>,
    %mul3A_585 = arith.constant 8 : i32
    %mul3A_586 = vector.broadcast %mul3A_585 : i32 to vector<16xi32>
    %mul3A_587 = arith.muli %iota3A, %mul3A_586 : vector<16xi32>
    %add3A_588 = arith.constant 512 : i32
    %add3A_589 = vector.broadcast %add3A_588 : i32 to vector<16xi32>
    %add3A_590 = arith.addi %mul3A_587, %add3A_589 : vector<16xi32>
    tpu.vector_store_idx %arg6[%add3A_590], %get3A_584 : memref<1024xf32, #tpu.memory_space<vmem>>[vector<16xi32>], vector<16xf32>,
    %get3A_591 = arith.constant 1 : i32
    %get3A_592 = arith.index_cast %get3A_591 : i32 to index
    %get3A_593 = arith.constant 64 : index
    %get3A_594 = tpu.vector_load %arg5[%get3A_592, %get3A_593] {strides = array<i32>} : memref<8x128xf32, #tpu.memory_space<vmem>>, vector<16xf32>,
    %mul3A_595 = arith.constant 8 : i32
    %mul3A_596 = vector.broadcast %mul3A_595 : i32 to vector<16xi32>
    %mul3A_597 = arith.muli %iota3A, %mul3A_596 : vector<16xi32>
    %add3A_598 = arith.constant 513 : i32
    %add3A_599 = vector.broadcast %add3A_598 : i32 to vector<16xi32>
    %add3A_600 = arith.addi %mul3A_597, %add3A_599 : vector<16xi32>
    tpu.vector_store_idx %arg6[%add3A_600], %get3A_594 : memref<1024xf32, #tpu.memory_space<vmem>>[vector<16xi32>], vector<16xf32>,
    %get3A_601 = arith.constant 2 : i32
    %get3A_602 = arith.index_cast %get3A_601 : i32 to index
    %get3A_603 = arith.constant 64 : index
    %get3A_604 = tpu.vector_load %arg5[%get3A_602, %get3A_603] {strides = array<i32>} : memref<8x128xf32, #tpu.memory_space<vmem>>, vector<16xf32>,
    %mul3A_605 = arith.constant 8 : i32
    %mul3A_606 = vector.broadcast %mul3A_605 : i32 to vector<16xi32>
    %mul3A_607 = arith.muli %iota3A, %mul3A_606 : vector<16xi32>
    %add3A_608 = arith.constant 514 : i32
    %add3A_609 = vector.broadcast %add3A_608 : i32 to vector<16xi32>
    %add3A_610 = arith.addi %mul3A_607, %add3A_609 : vector<16xi32>
    tpu.vector_store_idx %arg6[%add3A_610], %get3A_604 : memref<1024xf32, #tpu.memory_space<vmem>>[vector<16xi32>], vector<16xf32>,
    %get3A_611 = arith.constant 3 : i32
    %get3A_612 = arith.index_cast %get3A_611 : i32 to index
    %get3A_613 = arith.constant 64 : index
    %get3A_614 = tpu.vector_load %arg5[%get3A_612, %get3A_613] {strides = array<i32>} : memref<8x128xf32, #tpu.memory_space<vmem>>, vector<16xf32>,
    %mul3A_615 = arith.constant 8 : i32
    %mul3A_616 = vector.broadcast %mul3A_615 : i32 to vector<16xi32>
    %mul3A_617 = arith.muli %iota3A, %mul3A_616 : vector<16xi32>
    %add3A_618 = arith.constant 515 : i32
    %add3A_619 = vector.broadcast %add3A_618 : i32 to vector<16xi32>
    %add3A_620 = arith.addi %mul3A_617, %add3A_619 : vector<16xi32>
    tpu.vector_store_idx %arg6[%add3A_620], %get3A_614 : memref<1024xf32, #tpu.memory_space<vmem>>[vector<16xi32>], vector<16xf32>,
    %get3A_621 = arith.constant 4 : i32
    %get3A_622 = arith.index_cast %get3A_621 : i32 to index
    %get3A_623 = arith.constant 64 : index
    %get3A_624 = tpu.vector_load %arg5[%get3A_622, %get3A_623] {strides = array<i32>} : memref<8x128xf32, #tpu.memory_space<vmem>>, vector<16xf32>,
    %mul3A_625 = arith.constant 8 : i32
    %mul3A_626 = vector.broadcast %mul3A_625 : i32 to vector<16xi32>
    %mul3A_627 = arith.muli %iota3A, %mul3A_626 : vector<16xi32>
    %add3A_628 = arith.constant 516 : i32
    %add3A_629 = vector.broadcast %add3A_628 : i32 to vector<16xi32>
    %add3A_630 = arith.addi %mul3A_627, %add3A_629 : vector<16xi32>
    tpu.vector_store_idx %arg6[%add3A_630], %get3A_624 : memref<1024xf32, #tpu.memory_space<vmem>>[vector<16xi32>], vector<16xf32>,
    %get3A_631 = arith.constant 5 : i32
    %get3A_632 = arith.index_cast %get3A_631 : i32 to index
    %get3A_633 = arith.constant 64 : index
    %get3A_634 = tpu.vector_load %arg5[%get3A_632, %get3A_633] {strides = array<i32>} : memref<8x128xf32, #tpu.memory_space<vmem>>, vector<16xf32>,
    %mul3A_635 = arith.constant 8 : i32
    %mul3A_636 = vector.broadcast %mul3A_635 : i32 to vector<16xi32>
    %mul3A_637 = arith.muli %iota3A, %mul3A_636 : vector<16xi32>
    %add3A_638 = arith.constant 517 : i32
    %add3A_639 = vector.broadcast %add3A_638 : i32 to vector<16xi32>
    %add3A_640 = arith.addi %mul3A_637, %add3A_639 : vector<16xi32>
    tpu.vector_store_idx %arg6[%add3A_640], %get3A_634 : memref<1024xf32, #tpu.memory_space<vmem>>[vector<16xi32>], vector<16xf32>,
    %get3A_641 = arith.constant 6 : i32
    %get3A_642 = arith.index_cast %get3A_641 : i32 to index
    %get3A_643 = arith.constant 64 : index
    %get3A_644 = tpu.vector_load %arg5[%get3A_642, %get3A_643] {strides = array<i32>} : memref<8x128xf32, #tpu.memory_space<vmem>>, vector<16xf32>,
    %mul3A_645 = arith.constant 8 : i32
    %mul3A_646 = vector.broadcast %mul3A_645 : i32 to vector<16xi32>
    %mul3A_647 = arith.muli %iota3A, %mul3A_646 : vector<16xi32>
    %add3A_648 = arith.constant 518 : i32
    %add3A_649 = vector.broadcast %add3A_648 : i32 to vector<16xi32>
    %add3A_650 = arith.addi %mul3A_647, %add3A_649 : vector<16xi32>
    tpu.vector_store_idx %arg6[%add3A_650], %get3A_644 : memref<1024xf32, #tpu.memory_space<vmem>>[vector<16xi32>], vector<16xf32>,
    %get3A_651 = arith.constant 7 : i32
    %get3A_652 = arith.index_cast %get3A_651 : i32 to index
    %get3A_653 = arith.constant 64 : index
    %get3A_654 = tpu.vector_load %arg5[%get3A_652, %get3A_653] {strides = array<i32>} : memref<8x128xf32, #tpu.memory_space<vmem>>, vector<16xf32>,
    %mul3A_655 = arith.constant 8 : i32
    %mul3A_656 = vector.broadcast %mul3A_655 : i32 to vector<16xi32>
    %mul3A_657 = arith.muli %iota3A, %mul3A_656 : vector<16xi32>
    %add3A_658 = arith.constant 519 : i32
    %add3A_659 = vector.broadcast %add3A_658 : i32 to vector<16xi32>
    %add3A_660 = arith.addi %mul3A_657, %add3A_659 : vector<16xi32>
    tpu.vector_store_idx %arg6[%add3A_660], %get3A_654 : memref<1024xf32, #tpu.memory_space<vmem>>[vector<16xi32>], vector<16xf32>,
    %get3A_661 = arith.constant 0 : i32
    %get3A_662 = arith.index_cast %get3A_661 : i32 to index
    %get3A_663 = arith.constant 80 : index
    %get3A_664 = tpu.vector_load %arg5[%get3A_662, %get3A_663] {strides = array<i32>} : memref<8x128xf32, #tpu.memory_space<vmem>>, vector<16xf32>,
    %mul3A_665 = arith.constant 8 : i32
    %mul3A_666 = vector.broadcast %mul3A_665 : i32 to vector<16xi32>
    %mul3A_667 = arith.muli %iota3A, %mul3A_666 : vector<16xi32>
    %add3A_668 = arith.constant 640 : i32
    %add3A_669 = vector.broadcast %add3A_668 : i32 to vector<16xi32>
    %add3A_670 = arith.addi %mul3A_667, %add3A_669 : vector<16xi32>
    tpu.vector_store_idx %arg6[%add3A_670], %get3A_664 : memref<1024xf32, #tpu.memory_space<vmem>>[vector<16xi32>], vector<16xf32>,
    %get3A_671 = arith.constant 1 : i32
    %get3A_672 = arith.index_cast %get3A_671 : i32 to index
    %get3A_673 = arith.constant 80 : index
    %get3A_674 = tpu.vector_load %arg5[%get3A_672, %get3A_673] {strides = array<i32>} : memref<8x128xf32, #tpu.memory_space<vmem>>, vector<16xf32>,
    %mul3A_675 = arith.constant 8 : i32
    %mul3A_676 = vector.broadcast %mul3A_675 : i32 to vector<16xi32>
    %mul3A_677 = arith.muli %iota3A, %mul3A_676 : vector<16xi32>
    %add3A_678 = arith.constant 641 : i32
    %add3A_679 = vector.broadcast %add3A_678 : i32 to vector<16xi32>
    %add3A_680 = arith.addi %mul3A_677, %add3A_679 : vector<16xi32>
    tpu.vector_store_idx %arg6[%add3A_680], %get3A_674 : memref<1024xf32, #tpu.memory_space<vmem>>[vector<16xi32>], vector<16xf32>,
    %get3A_681 = arith.constant 2 : i32
    %get3A_682 = arith.index_cast %get3A_681 : i32 to index
    %get3A_683 = arith.constant 80 : index
    %get3A_684 = tpu.vector_load %arg5[%get3A_682, %get3A_683] {strides = array<i32>} : memref<8x128xf32, #tpu.memory_space<vmem>>, vector<16xf32>,
    %mul3A_685 = arith.constant 8 : i32
    %mul3A_686 = vector.broadcast %mul3A_685 : i32 to vector<16xi32>
    %mul3A_687 = arith.muli %iota3A, %mul3A_686 : vector<16xi32>
    %add3A_688 = arith.constant 642 : i32
    %add3A_689 = vector.broadcast %add3A_688 : i32 to vector<16xi32>
    %add3A_690 = arith.addi %mul3A_687, %add3A_689 : vector<16xi32>
    tpu.vector_store_idx %arg6[%add3A_690], %get3A_684 : memref<1024xf32, #tpu.memory_space<vmem>>[vector<16xi32>], vector<16xf32>,
    %get3A_691 = arith.constant 3 : i32
    %get3A_692 = arith.index_cast %get3A_691 : i32 to index
    %get3A_693 = arith.constant 80 : index
    %get3A_694 = tpu.vector_load %arg5[%get3A_692, %get3A_693] {strides = array<i32>} : memref<8x128xf32, #tpu.memory_space<vmem>>, vector<16xf32>,
    %mul3A_695 = arith.constant 8 : i32
    %mul3A_696 = vector.broadcast %mul3A_695 : i32 to vector<16xi32>
    %mul3A_697 = arith.muli %iota3A, %mul3A_696 : vector<16xi32>
    %add3A_698 = arith.constant 643 : i32
    %add3A_699 = vector.broadcast %add3A_698 : i32 to vector<16xi32>
    %add3A_700 = arith.addi %mul3A_697, %add3A_699 : vector<16xi32>
    tpu.vector_store_idx %arg6[%add3A_700], %get3A_694 : memref<1024xf32, #tpu.memory_space<vmem>>[vector<16xi32>], vector<16xf32>,
    %get3A_701 = arith.constant 4 : i32
    %get3A_702 = arith.index_cast %get3A_701 : i32 to index
    %get3A_703 = arith.constant 80 : index
    %get3A_704 = tpu.vector_load %arg5[%get3A_702, %get3A_703] {strides = array<i32>} : memref<8x128xf32, #tpu.memory_space<vmem>>, vector<16xf32>,
    %mul3A_705 = arith.constant 8 : i32
    %mul3A_706 = vector.broadcast %mul3A_705 : i32 to vector<16xi32>
    %mul3A_707 = arith.muli %iota3A, %mul3A_706 : vector<16xi32>
    %add3A_708 = arith.constant 644 : i32
    %add3A_709 = vector.broadcast %add3A_708 : i32 to vector<16xi32>
    %add3A_710 = arith.addi %mul3A_707, %add3A_709 : vector<16xi32>
    tpu.vector_store_idx %arg6[%add3A_710], %get3A_704 : memref<1024xf32, #tpu.memory_space<vmem>>[vector<16xi32>], vector<16xf32>,
    %get3A_711 = arith.constant 5 : i32
    %get3A_712 = arith.index_cast %get3A_711 : i32 to index
    %get3A_713 = arith.constant 80 : index
    %get3A_714 = tpu.vector_load %arg5[%get3A_712, %get3A_713] {strides = array<i32>} : memref<8x128xf32, #tpu.memory_space<vmem>>, vector<16xf32>,
    %mul3A_715 = arith.constant 8 : i32
    %mul3A_716 = vector.broadcast %mul3A_715 : i32 to vector<16xi32>
    %mul3A_717 = arith.muli %iota3A, %mul3A_716 : vector<16xi32>
    %add3A_718 = arith.constant 645 : i32
    %add3A_719 = vector.broadcast %add3A_718 : i32 to vector<16xi32>
    %add3A_720 = arith.addi %mul3A_717, %add3A_719 : vector<16xi32>
    tpu.vector_store_idx %arg6[%add3A_720], %get3A_714 : memref<1024xf32, #tpu.memory_space<vmem>>[vector<16xi32>], vector<16xf32>,
    %get3A_721 = arith.constant 6 : i32
    %get3A_722 = arith.index_cast %get3A_721 : i32 to index
    %get3A_723 = arith.constant 80 : index
    %get3A_724 = tpu.vector_load %arg5[%get3A_722, %get3A_723] {strides = array<i32>} : memref<8x128xf32, #tpu.memory_space<vmem>>, vector<16xf32>,
    %mul3A_725 = arith.constant 8 : i32
    %mul3A_726 = vector.broadcast %mul3A_725 : i32 to vector<16xi32>
    %mul3A_727 = arith.muli %iota3A, %mul3A_726 : vector<16xi32>
    %add3A_728 = arith.constant 646 : i32
    %add3A_729 = vector.broadcast %add3A_728 : i32 to vector<16xi32>
    %add3A_730 = arith.addi %mul3A_727, %add3A_729 : vector<16xi32>
    tpu.vector_store_idx %arg6[%add3A_730], %get3A_724 : memref<1024xf32, #tpu.memory_space<vmem>>[vector<16xi32>], vector<16xf32>,
    %get3A_731 = arith.constant 7 : i32
    %get3A_732 = arith.index_cast %get3A_731 : i32 to index
    %get3A_733 = arith.constant 80 : index
    %get3A_734 = tpu.vector_load %arg5[%get3A_732, %get3A_733] {strides = array<i32>} : memref<8x128xf32, #tpu.memory_space<vmem>>, vector<16xf32>,
    %mul3A_735 = arith.constant 8 : i32
    %mul3A_736 = vector.broadcast %mul3A_735 : i32 to vector<16xi32>
    %mul3A_737 = arith.muli %iota3A, %mul3A_736 : vector<16xi32>
    %add3A_738 = arith.constant 647 : i32
    %add3A_739 = vector.broadcast %add3A_738 : i32 to vector<16xi32>
    %add3A_740 = arith.addi %mul3A_737, %add3A_739 : vector<16xi32>
    tpu.vector_store_idx %arg6[%add3A_740], %get3A_734 : memref<1024xf32, #tpu.memory_space<vmem>>[vector<16xi32>], vector<16xf32>,
    %get3A_741 = arith.constant 0 : i32
    %get3A_742 = arith.index_cast %get3A_741 : i32 to index
    %get3A_743 = arith.constant 96 : index
    %get3A_744 = tpu.vector_load %arg5[%get3A_742, %get3A_743] {strides = array<i32>} : memref<8x128xf32, #tpu.memory_space<vmem>>, vector<16xf32>,
    %mul3A_745 = arith.constant 8 : i32
    %mul3A_746 = vector.broadcast %mul3A_745 : i32 to vector<16xi32>
    %mul3A_747 = arith.muli %iota3A, %mul3A_746 : vector<16xi32>
    %add3A_748 = arith.constant 768 : i32
    %add3A_749 = vector.broadcast %add3A_748 : i32 to vector<16xi32>
    %add3A_750 = arith.addi %mul3A_747, %add3A_749 : vector<16xi32>
    tpu.vector_store_idx %arg6[%add3A_750], %get3A_744 : memref<1024xf32, #tpu.memory_space<vmem>>[vector<16xi32>], vector<16xf32>,
    %get3A_751 = arith.constant 1 : i32
    %get3A_752 = arith.index_cast %get3A_751 : i32 to index
    %get3A_753 = arith.constant 96 : index
    %get3A_754 = tpu.vector_load %arg5[%get3A_752, %get3A_753] {strides = array<i32>} : memref<8x128xf32, #tpu.memory_space<vmem>>, vector<16xf32>,
    %mul3A_755 = arith.constant 8 : i32
    %mul3A_756 = vector.broadcast %mul3A_755 : i32 to vector<16xi32>
    %mul3A_757 = arith.muli %iota3A, %mul3A_756 : vector<16xi32>
    %add3A_758 = arith.constant 769 : i32
    %add3A_759 = vector.broadcast %add3A_758 : i32 to vector<16xi32>
    %add3A_760 = arith.addi %mul3A_757, %add3A_759 : vector<16xi32>
    tpu.vector_store_idx %arg6[%add3A_760], %get3A_754 : memref<1024xf32, #tpu.memory_space<vmem>>[vector<16xi32>], vector<16xf32>,
    %get3A_761 = arith.constant 2 : i32
    %get3A_762 = arith.index_cast %get3A_761 : i32 to index
    %get3A_763 = arith.constant 96 : index
    %get3A_764 = tpu.vector_load %arg5[%get3A_762, %get3A_763] {strides = array<i32>} : memref<8x128xf32, #tpu.memory_space<vmem>>, vector<16xf32>,
    %mul3A_765 = arith.constant 8 : i32
    %mul3A_766 = vector.broadcast %mul3A_765 : i32 to vector<16xi32>
    %mul3A_767 = arith.muli %iota3A, %mul3A_766 : vector<16xi32>
    %add3A_768 = arith.constant 770 : i32
    %add3A_769 = vector.broadcast %add3A_768 : i32 to vector<16xi32>
    %add3A_770 = arith.addi %mul3A_767, %add3A_769 : vector<16xi32>
    tpu.vector_store_idx %arg6[%add3A_770], %get3A_764 : memref<1024xf32, #tpu.memory_space<vmem>>[vector<16xi32>], vector<16xf32>,
    %get3A_771 = arith.constant 3 : i32
    %get3A_772 = arith.index_cast %get3A_771 : i32 to index
    %get3A_773 = arith.constant 96 : index
    %get3A_774 = tpu.vector_load %arg5[%get3A_772, %get3A_773] {strides = array<i32>} : memref<8x128xf32, #tpu.memory_space<vmem>>, vector<16xf32>,
    %mul3A_775 = arith.constant 8 : i32
    %mul3A_776 = vector.broadcast %mul3A_775 : i32 to vector<16xi32>
    %mul3A_777 = arith.muli %iota3A, %mul3A_776 : vector<16xi32>
    %add3A_778 = arith.constant 771 : i32
    %add3A_779 = vector.broadcast %add3A_778 : i32 to vector<16xi32>
    %add3A_780 = arith.addi %mul3A_777, %add3A_779 : vector<16xi32>
    tpu.vector_store_idx %arg6[%add3A_780], %get3A_774 : memref<1024xf32, #tpu.memory_space<vmem>>[vector<16xi32>], vector<16xf32>,
    %get3A_781 = arith.constant 4 : i32
    %get3A_782 = arith.index_cast %get3A_781 : i32 to index
    %get3A_783 = arith.constant 96 : index
    %get3A_784 = tpu.vector_load %arg5[%get3A_782, %get3A_783] {strides = array<i32>} : memref<8x128xf32, #tpu.memory_space<vmem>>, vector<16xf32>,
    %mul3A_785 = arith.constant 8 : i32
    %mul3A_786 = vector.broadcast %mul3A_785 : i32 to vector<16xi32>
    %mul3A_787 = arith.muli %iota3A, %mul3A_786 : vector<16xi32>
    %add3A_788 = arith.constant 772 : i32
    %add3A_789 = vector.broadcast %add3A_788 : i32 to vector<16xi32>
    %add3A_790 = arith.addi %mul3A_787, %add3A_789 : vector<16xi32>
    tpu.vector_store_idx %arg6[%add3A_790], %get3A_784 : memref<1024xf32, #tpu.memory_space<vmem>>[vector<16xi32>], vector<16xf32>,
    %get3A_791 = arith.constant 5 : i32
    %get3A_792 = arith.index_cast %get3A_791 : i32 to index
    %get3A_793 = arith.constant 96 : index
    %get3A_794 = tpu.vector_load %arg5[%get3A_792, %get3A_793] {strides = array<i32>} : memref<8x128xf32, #tpu.memory_space<vmem>>, vector<16xf32>,
    %mul3A_795 = arith.constant 8 : i32
    %mul3A_796 = vector.broadcast %mul3A_795 : i32 to vector<16xi32>
    %mul3A_797 = arith.muli %iota3A, %mul3A_796 : vector<16xi32>
    %add3A_798 = arith.constant 773 : i32
    %add3A_799 = vector.broadcast %add3A_798 : i32 to vector<16xi32>
    %add3A_800 = arith.addi %mul3A_797, %add3A_799 : vector<16xi32>
    tpu.vector_store_idx %arg6[%add3A_800], %get3A_794 : memref<1024xf32, #tpu.memory_space<vmem>>[vector<16xi32>], vector<16xf32>,
    %get3A_801 = arith.constant 6 : i32
    %get3A_802 = arith.index_cast %get3A_801 : i32 to index
    %get3A_803 = arith.constant 96 : index
    %get3A_804 = tpu.vector_load %arg5[%get3A_802, %get3A_803] {strides = array<i32>} : memref<8x128xf32, #tpu.memory_space<vmem>>, vector<16xf32>,
    %mul3A_805 = arith.constant 8 : i32
    %mul3A_806 = vector.broadcast %mul3A_805 : i32 to vector<16xi32>
    %mul3A_807 = arith.muli %iota3A, %mul3A_806 : vector<16xi32>
    %add3A_808 = arith.constant 774 : i32
    %add3A_809 = vector.broadcast %add3A_808 : i32 to vector<16xi32>
    %add3A_810 = arith.addi %mul3A_807, %add3A_809 : vector<16xi32>
    tpu.vector_store_idx %arg6[%add3A_810], %get3A_804 : memref<1024xf32, #tpu.memory_space<vmem>>[vector<16xi32>], vector<16xf32>,
    %get3A_811 = arith.constant 7 : i32
    %get3A_812 = arith.index_cast %get3A_811 : i32 to index
    %get3A_813 = arith.constant 96 : index
    %get3A_814 = tpu.vector_load %arg5[%get3A_812, %get3A_813] {strides = array<i32>} : memref<8x128xf32, #tpu.memory_space<vmem>>, vector<16xf32>,
    %mul3A_815 = arith.constant 8 : i32
    %mul3A_816 = vector.broadcast %mul3A_815 : i32 to vector<16xi32>
    %mul3A_817 = arith.muli %iota3A, %mul3A_816 : vector<16xi32>
    %add3A_818 = arith.constant 775 : i32
    %add3A_819 = vector.broadcast %add3A_818 : i32 to vector<16xi32>
    %add3A_820 = arith.addi %mul3A_817, %add3A_819 : vector<16xi32>
    tpu.vector_store_idx %arg6[%add3A_820], %get3A_814 : memref<1024xf32, #tpu.memory_space<vmem>>[vector<16xi32>], vector<16xf32>,
    %get3A_821 = arith.constant 0 : i32
    %get3A_822 = arith.index_cast %get3A_821 : i32 to index
    %get3A_823 = arith.constant 112 : index
    %get3A_824 = tpu.vector_load %arg5[%get3A_822, %get3A_823] {strides = array<i32>} : memref<8x128xf32, #tpu.memory_space<vmem>>, vector<16xf32>,
    %mul3A_825 = arith.constant 8 : i32
    %mul3A_826 = vector.broadcast %mul3A_825 : i32 to vector<16xi32>
    %mul3A_827 = arith.muli %iota3A, %mul3A_826 : vector<16xi32>
    %add3A_828 = arith.constant 896 : i32
    %add3A_829 = vector.broadcast %add3A_828 : i32 to vector<16xi32>
    %add3A_830 = arith.addi %mul3A_827, %add3A_829 : vector<16xi32>
    tpu.vector_store_idx %arg6[%add3A_830], %get3A_824 : memref<1024xf32, #tpu.memory_space<vmem>>[vector<16xi32>], vector<16xf32>,
    %get3A_831 = arith.constant 1 : i32
    %get3A_832 = arith.index_cast %get3A_831 : i32 to index
    %get3A_833 = arith.constant 112 : index
    %get3A_834 = tpu.vector_load %arg5[%get3A_832, %get3A_833] {strides = array<i32>} : memref<8x128xf32, #tpu.memory_space<vmem>>, vector<16xf32>,
    %mul3A_835 = arith.constant 8 : i32
    %mul3A_836 = vector.broadcast %mul3A_835 : i32 to vector<16xi32>
    %mul3A_837 = arith.muli %iota3A, %mul3A_836 : vector<16xi32>
    %add3A_838 = arith.constant 897 : i32
    %add3A_839 = vector.broadcast %add3A_838 : i32 to vector<16xi32>
    %add3A_840 = arith.addi %mul3A_837, %add3A_839 : vector<16xi32>
    tpu.vector_store_idx %arg6[%add3A_840], %get3A_834 : memref<1024xf32, #tpu.memory_space<vmem>>[vector<16xi32>], vector<16xf32>,
    %get3A_841 = arith.constant 2 : i32
    %get3A_842 = arith.index_cast %get3A_841 : i32 to index
    %get3A_843 = arith.constant 112 : index
    %get3A_844 = tpu.vector_load %arg5[%get3A_842, %get3A_843] {strides = array<i32>} : memref<8x128xf32, #tpu.memory_space<vmem>>, vector<16xf32>,
    %mul3A_845 = arith.constant 8 : i32
    %mul3A_846 = vector.broadcast %mul3A_845 : i32 to vector<16xi32>
    %mul3A_847 = arith.muli %iota3A, %mul3A_846 : vector<16xi32>
    %add3A_848 = arith.constant 898 : i32
    %add3A_849 = vector.broadcast %add3A_848 : i32 to vector<16xi32>
    %add3A_850 = arith.addi %mul3A_847, %add3A_849 : vector<16xi32>
    tpu.vector_store_idx %arg6[%add3A_850], %get3A_844 : memref<1024xf32, #tpu.memory_space<vmem>>[vector<16xi32>], vector<16xf32>,
    %get3A_851 = arith.constant 3 : i32
    %get3A_852 = arith.index_cast %get3A_851 : i32 to index
    %get3A_853 = arith.constant 112 : index
    %get3A_854 = tpu.vector_load %arg5[%get3A_852, %get3A_853] {strides = array<i32>} : memref<8x128xf32, #tpu.memory_space<vmem>>, vector<16xf32>,
    %mul3A_855 = arith.constant 8 : i32
    %mul3A_856 = vector.broadcast %mul3A_855 : i32 to vector<16xi32>
    %mul3A_857 = arith.muli %iota3A, %mul3A_856 : vector<16xi32>
    %add3A_858 = arith.constant 899 : i32
    %add3A_859 = vector.broadcast %add3A_858 : i32 to vector<16xi32>
    %add3A_860 = arith.addi %mul3A_857, %add3A_859 : vector<16xi32>
    tpu.vector_store_idx %arg6[%add3A_860], %get3A_854 : memref<1024xf32, #tpu.memory_space<vmem>>[vector<16xi32>], vector<16xf32>,
    %get3A_861 = arith.constant 4 : i32
    %get3A_862 = arith.index_cast %get3A_861 : i32 to index
    %get3A_863 = arith.constant 112 : index
    %get3A_864 = tpu.vector_load %arg5[%get3A_862, %get3A_863] {strides = array<i32>} : memref<8x128xf32, #tpu.memory_space<vmem>>, vector<16xf32>,
    %mul3A_865 = arith.constant 8 : i32
    %mul3A_866 = vector.broadcast %mul3A_865 : i32 to vector<16xi32>
    %mul3A_867 = arith.muli %iota3A, %mul3A_866 : vector<16xi32>
    %add3A_868 = arith.constant 900 : i32
    %add3A_869 = vector.broadcast %add3A_868 : i32 to vector<16xi32>
    %add3A_870 = arith.addi %mul3A_867, %add3A_869 : vector<16xi32>
    tpu.vector_store_idx %arg6[%add3A_870], %get3A_864 : memref<1024xf32, #tpu.memory_space<vmem>>[vector<16xi32>], vector<16xf32>,
    %get3A_871 = arith.constant 5 : i32
    %get3A_872 = arith.index_cast %get3A_871 : i32 to index
    %get3A_873 = arith.constant 112 : index
    %get3A_874 = tpu.vector_load %arg5[%get3A_872, %get3A_873] {strides = array<i32>} : memref<8x128xf32, #tpu.memory_space<vmem>>, vector<16xf32>,
    %mul3A_875 = arith.constant 8 : i32
    %mul3A_876 = vector.broadcast %mul3A_875 : i32 to vector<16xi32>
    %mul3A_877 = arith.muli %iota3A, %mul3A_876 : vector<16xi32>
    %add3A_878 = arith.constant 901 : i32
    %add3A_879 = vector.broadcast %add3A_878 : i32 to vector<16xi32>
    %add3A_880 = arith.addi %mul3A_877, %add3A_879 : vector<16xi32>
    tpu.vector_store_idx %arg6[%add3A_880], %get3A_874 : memref<1024xf32, #tpu.memory_space<vmem>>[vector<16xi32>], vector<16xf32>,
    %get3A_881 = arith.constant 6 : i32
    %get3A_882 = arith.index_cast %get3A_881 : i32 to index
    %get3A_883 = arith.constant 112 : index
    %get3A_884 = tpu.vector_load %arg5[%get3A_882, %get3A_883] {strides = array<i32>} : memref<8x128xf32, #tpu.memory_space<vmem>>, vector<16xf32>,
    %mul3A_885 = arith.constant 8 : i32
    %mul3A_886 = vector.broadcast %mul3A_885 : i32 to vector<16xi32>
    %mul3A_887 = arith.muli %iota3A, %mul3A_886 : vector<16xi32>
    %add3A_888 = arith.constant 902 : i32
    %add3A_889 = vector.broadcast %add3A_888 : i32 to vector<16xi32>
    %add3A_890 = arith.addi %mul3A_887, %add3A_889 : vector<16xi32>
    tpu.vector_store_idx %arg6[%add3A_890], %get3A_884 : memref<1024xf32, #tpu.memory_space<vmem>>[vector<16xi32>], vector<16xf32>,
    %get3A_891 = arith.constant 7 : i32
    %get3A_892 = arith.index_cast %get3A_891 : i32 to index
    %get3A_893 = arith.constant 112 : index
    %get3A_894 = tpu.vector_load %arg5[%get3A_892, %get3A_893] {strides = array<i32>} : memref<8x128xf32, #tpu.memory_space<vmem>>, vector<16xf32>,
    %mul3A_895 = arith.constant 8 : i32
    %mul3A_896 = vector.broadcast %mul3A_895 : i32 to vector<16xi32>
    %mul3A_897 = arith.muli %iota3A, %mul3A_896 : vector<16xi32>
    %add3A_898 = arith.constant 903 : i32
    %add3A_899 = vector.broadcast %add3A_898 : i32 to vector<16xi32>
    %add3A_900 = arith.addi %mul3A_897, %add3A_899 : vector<16xi32>
    tpu.vector_store_idx %arg6[%add3A_900], %get3A_894 : memref<1024xf32, #tpu.memory_space<vmem>>[vector<16xi32>], vector<16xf32>,
    "tpu.region"() ({
      %run_scoped3A = tpu.sem_alloc : memref<!tpu.dma_semaphore, #tpu.memory_space<semaphore_mem>>
      %dma_start3A = arith.constant 0 : i32
      %dma_start3A_901 = tpu.memref_slice %arg3[%add3A, %dma_start3A] : memref<32x1024xf32, #tpu.memory_space<hbm>> -> memref<1x1024xf32, #tpu.memory_space<hbm>>
      %dma_start3A_902 = tpu.memref_squeeze %dma_start3A_901 : memref<1x1024xf32, #tpu.memory_space<hbm>> -> memref<1024xf32, #tpu.memory_space<hbm>>
      %dma_start3A_903 = arith.constant 0 : i32
      %dma_start3A_904 = tpu.memref_slice %arg3[%add3A, %dma_start3A_903] : memref<32x1024xf32, #tpu.memory_space<hbm>> -> memref<1x1024xf32, #tpu.memory_space<hbm>>
      %dma_start3A_905 = tpu.memref_squeeze %dma_start3A_904 : memref<1x1024xf32, #tpu.memory_space<hbm>> -> memref<1024xf32, #tpu.memory_space<hbm>>
      tpu.enqueue_dma source(%arg6 : memref<1024xf32, #tpu.memory_space<vmem>>) target(%dma_start3A_905 : memref<1024xf32, #tpu.memory_space<hbm>>) target_semaphore(%run_scoped3A : memref<!tpu.dma_semaphore, #tpu.memory_space<semaphore_mem>>)
      %dma_wait3A = arith.constant 0 : i32
      %dma_wait3A_906 = tpu.memref_slice %arg3[%add3A, %dma_wait3A] : memref<32x1024xf32, #tpu.memory_space<hbm>> -> memref<1x1024xf32, #tpu.memory_space<hbm>>
      %dma_wait3A_907 = tpu.memref_squeeze %dma_wait3A_906 : memref<1x1024xf32, #tpu.memory_space<hbm>> -> memref<1024xf32, #tpu.memory_space<hbm>>
      %dma_wait3A_908 = arith.constant 0 : i32
      %dma_wait3A_909 = tpu.memref_slice %arg3[%add3A, %dma_wait3A_908] : memref<32x1024xf32, #tpu.memory_space<hbm>> -> memref<1x1024xf32, #tpu.memory_space<hbm>>
      %dma_wait3A_910 = tpu.memref_squeeze %dma_wait3A_909 : memref<1x1024xf32, #tpu.memory_space<hbm>> -> memref<1024xf32, #tpu.memory_space<hbm>>
      tpu.wait_dma2 semaphore(%run_scoped3A : memref<!tpu.dma_semaphore, #tpu.memory_space<semaphore_mem>>) src(%arg6 : memref<1024xf32, #tpu.memory_space<vmem>>) dst(%dma_wait3A_910 : memref<1024xf32, #tpu.memory_space<hbm>>)
      tpu.yield
    }) : () -> ()
    return
  }
}

</mosaic_0001>

<sc_bundles>
// kernel: kernel.3.cloned.1.call-start
scs
__scs_entry_jumppad:
0x0: {  	(pc) =	sbr.rel $0x88, $3  }
0x1: {  	(tag) =	ssettag $0x0;
	lr =	simm.s32 $0x1  }
0x2: {  	[smem:$0x3FA0] =	sst lr;
	_ =	strace $0xD0000000  }
0x3: {  	_ = 	snop  }
0x4: {  	_ = 	snop  }
0x5: {  	_ = 	snop  }
0x6: {  	_ = 	snop  }
0x7: {  	_ = 	snop  }
__scs_overlays_trampoline_lowered:
0x8: {  	[smem:$0x3FAF] =	sst s0  }
0x9: {  	[smem:$0x3FB0] =	sst s1  }
0xa: {  	[smem:$0x3FB1] =	sst s2  }
0xb: {  	[smem:$0x3FB2] =	sst s3  }
0xc: {  	[smem:$0x3FB3] =	sst s4  }
0xd: {  	[smem:$0x3FB4] =	sst s5  }
0xe: {  	[smem:$0x3FB5] =	sst s6  }
0xf: {  	[smem:$0x3FB6] =	sst s7  }
0x10: {  	[smem:$0x3FB7] =	sst s8  }
0x11: {  	[smem:$0x3FB8] =	sst s9;
	s0 =	simm.s32 @!p0 $0x0  }
0x12: {  	s1 =	sld [smem:$0x3F9E];
	s0 =	simm.s32 @p0 $0x1  }
0x13: {  	[smem:$0x3FB9] =	sst s0;
	s0 =	simm.s32 @!p1 $0x0  }
0x14: {  	s2 =	sld [smem:$0x3F9D];
	s0 =	simm.s32 @p1 $0x1  }
0x15: {  	[smem:$0x3FBA] =	sst s0;
	s0 =	simm.s32 @!p2 $0x0  }
0x16: {  	s3 =	sld [smem:$0x3FDB];
	s0 =	simm.s32 @p2 $0x1  }
0x17: {  	s4 =	simm.s32 $0x1BF5;
	[smem:$0x3FBC] =	sst s0  }
0x18: {  	s0 =	sld [smem:$0x3F9F];
	_ =	swait.ge [sflag:s4], $0x0  }
0x19: {  	s7 =	sld [smem:$0x3FA0]  }
0x1a: {  	s8 =	sadd.s32 $0xFFFFE003, lr  }
0x1b: {  	s9 =	sadd.s32 $0xFFFFFEF7, lr;
	s5 =	simm.s32 $0xFFFFFFFF;
	p2 =	slt.u32 s8, $0xFFFFF086  }
0x1c: {  	p1 =	slt.u32 s9, $0xF7A;
	s5 =	simm.s32 @!p2 $0x0  }
0x1d: {  	s5 =	simm.s32 @p1 $0x1;
	p0 =	seq.s32 s7, s2  }
0x1e: {  	s7 =	smul.u32 @!p0 $0xF7A, s2;
	p2 =	seq.s32 @!p0 s5, $0x0  }
0x1f: {  	s9 =	smul.u32 $0xF7A, s1;
	s8 =	simm.s32 @!p0 $0x1BF5;
	p2 =	por !p2, p0  }
0x20: {  	[sflag:s8] =	ssyncset.s32 @!p0 $0xFFFFF086;
	s6 =	sadd.s32 @!p0 s3, s7;
	s7 =	simm.s32 @!p0 $0x108  }
0x21: {  	s3 =	sadd.s32 s3, s9;
	s6 =	sadd.s32 @!p0 $0x88, s6;
	s7 =	simm.s32 @p2 $0x1082  }
0x22: {  	[simem:s7], [sflag:s8] =	dma.local @!p0 [hbm:s6], $0xF7A  }
0x23: {  	s9 =	sor.u32 $0xD0000000, s2;
	s6 =	simm.s32 $0x108;
	_ =	swait.ge @!p0 [sflag:s8], $0x0  }
0x24: {  	s3 =	sadd.s32 $0x88, s3;
	s6 =	simm.s32 @!p1 $0x1082;
	[sflag:s4] =	ssyncset.s32 $0xFFFFF086  }
0x25: {  	[simem:s6], [sflag:s4] =	dma.local [hbm:s3], $0xF7A  }
0x26: {  	[smem:$0x3FA0] =	sst s1;
	(tag) =	ssettag s2;
	_ =	strace s9  }
0x27: {  	s1 =	sld [smem:$0x3FB0]  }
0x28: {  	s2 =	sld [smem:$0x3FB1]  }
0x29: {  	s4 =	sld [smem:$0x3FB3]  }
0x2a: {  	p0 =	seq.s32 s5, $0x0;
	s5 =	sld [smem:$0x3FB4]  }
0x2b: {  	s6 =	sld [smem:$0x3FB5]  }
0x2c: {  	s7 =	sld [smem:$0x3FB6]  }
0x2d: {  	s3 =	simm.s32 $0x108;
	s8 =	sld [smem:$0x3FB7]  }
0x2e: {  	s3 =	simm.s32 @!p0 $0x1082;
	s9 =	sld [smem:$0x3FB8]  }
0x2f: {  	lr =	sadd.s32 s0, s3;
	s0 =	sld [smem:$0x3FAF]  }
0x30: {  	s3 =	sld [smem:$0x3FB2]  }
0x31: {  	[smem:$0x3FBB] =	sst s10  }
0x32: {  	s10 =	sld [smem:$0x3FB9];
	_ =	sdelay $0x3  }
0x33: {  	p0 =	seq.s32 s10, $0x1;
	s10 =	sld [smem:$0x3FBB];
	_ =	sdelay $0x3  }
0x34: {  	[smem:$0x3FBB] =	sst s10  }
0x35: {  	s10 =	sld [smem:$0x3FBA];
	_ =	sdelay $0x3  }
0x36: {  	p1 =	seq.s32 s10, $0x1;
	s10 =	sld [smem:$0x3FBB];
	_ =	sdelay $0x3  }
0x37: {  	[smem:$0x3FBB] =	sst s10  }
0x38: {  	s10 =	sld [smem:$0x3FBC]  }
0x39: {  	_ = 	snop;
	(pc) =	sbr.ind lr, $3  }
0x3a: {  	_ = 	snop  }
0x3b: {  	_ = 	snop  }
0x3c: {  	p2 =	seq.s32 s10, $0x1;
	s10 =	sld [smem:$0x3FBB]  }
0x3d: {  	_ =	shalt  }
0x3e: {  	_ =	shalt  }
0x3f: {  	_ =	shalt  }
0x40: {  	_ =	shalt  }
0x41: {  	_ =	shalt  }
0x42: {  	_ =	shalt  }
0x43: {  	_ =	shalt  }
0x44: {  	_ =	shalt  }
0x45: {  	_ =	shalt  }
0x46: {  	_ =	shalt  }
0x47: {  	_ =	shalt  }
0x48: {  	_ =	shalt  }
0x49: {  	_ =	shalt  }
0x4a: {  	_ =	shalt  }
0x4b: {  	_ =	shalt  }
0x4c: {  	_ =	shalt  }
0x4d: {  	_ =	shalt  }
0x4e: {  	_ =	shalt  }
0x4f: {  	_ =	shalt  }
0x50: {  	_ =	shalt  }
0x51: {  	_ =	shalt  }
0x52: {  	_ =	shalt  }
0x53: {  	_ =	shalt  }
0x54: {  	_ =	shalt  }
0x55: {  	_ =	shalt  }
0x56: {  	_ =	shalt  }
0x57: {  	_ =	shalt  }
0x58: {  	_ =	shalt  }
0x59: {  	_ =	shalt  }
0x5a: {  	_ =	shalt  }
0x5b: {  	_ =	shalt  }
0x5c: {  	_ =	shalt  }
0x5d: {  	_ =	shalt  }
0x5e: {  	_ =	shalt  }
0x5f: {  	_ =	shalt  }
0x60: {  	_ =	shalt  }
0x61: {  	_ =	shalt  }
0x62: {  	_ =	shalt  }
0x63: {  	_ =	shalt  }
0x64: {  	_ =	shalt  }
0x65: {  	_ =	shalt  }
0x66: {  	_ =	shalt  }
0x67: {  	_ =	shalt  }
0x68: {  	_ =	shalt  }
0x69: {  	_ =	shalt  }
0x6a: {  	_ =	shalt  }
0x6b: {  	_ =	shalt  }
0x6c: {  	_ =	shalt  }
0x6d: {  	_ =	shalt  }
0x6e: {  	_ =	shalt  }
0x6f: {  	_ =	shalt  }
0x70: {  	_ =	shalt  }
0x71: {  	_ =	shalt  }
0x72: {  	_ =	shalt  }
0x73: {  	_ =	shalt  }
0x74: {  	_ =	shalt  }
0x75: {  	_ =	shalt  }
0x76: {  	_ =	shalt  }
0x77: {  	_ =	shalt  }
0x78: {  	_ =	shalt  }
0x79: {  	_ =	shalt  }
0x7a: {  	_ =	shalt  }
0x7b: {  	_ =	shalt  }
0x7c: {  	_ =	shalt  }
0x7d: {  	_ =	shalt  }
0x7e: {  	_ =	shalt  }
0x7f: {  	_ =	shalt  }
0x80: {  	_ =	shalt  }
0x81: {  	_ =	shalt  }
0x82: {  	_ =	shalt  }
0x83: {  	_ =	shalt  }
0x84: {  	_ =	shalt  }
0x85: {  	_ =	shalt  }
0x86: {  	_ =	shalt  }
0x87: {  	_ =	shalt  }
.Lfunc_end0:
.L_simem_size_0:
called_computation_lowered:
.L_overlay_start_0:
0x88: {  	s2 =	sld [smem:$0x3FD9]  }
0x89: {  	s3 =	sld [smem:$0x3FFE];
	_ =	sdelay $0x1  }
0x8a: {  	s1 =	srdreg.scid  }
0x8b: {  	s0 =	sand.u32 $0x1, s1  }
0x8c: {  	s18 =	sshll.u32 s0, $0xA;
	s2 =	sadd.s32 s3, s2  }
0x8d: {  	s2 =	sadd.s32 s2, s18  }
0x8e: {  	[smem:$0x3FC7] =	sst s2  }
0x8f: {  	_ = 	snop  }
0x90: {  	s2 =	sld [smem:$0x3FC9]  }
0x91: {  	s19 =	sld [smem:$0x3FD0];
	(tm) =	ssettm $0x1  }
0x92: {  	s4 =	sld [smem:$0x3FFB];
	_ =	sdelay $0x3  }
0x93: {  	_ =	strace s4  }
0x94: {  	s4 =	sld [smem:$0x3FFC];
	_ =	sdelay $0x3  }
0x95: {  	_ =	strace s4  }
0x96: {  	s4 =	sld [smem:$0x3FFD];
	_ =	sdelay $0x3  }
0x97: {  	_ =	strace s4  }
0x98: {  	_ =	strace $0x8FFFFFFF  }
0x99: {  	s20 =	sld [smem:$0x3FDB];
	_ =	sdelay $0x1  }
0x9a: {  	s5 =	simm.s32 $_scs_section_size  }
0x9b: {  	s6 =	simm.s32 $_size__tile_overlayer_lowered;
	s7 =	simm.s32 $_tile_overlayer_lowered  }
0x9c: {  	s23 =	simm.s32 $0x1BFF;
	s22 =	sshll.u32 s7, $0x1;
	s4 =	sadd.s32 s5, s20  }
0x9d: {  	s8 =	simm.s32 $0x0;
	s21 =	sshll.u32 s6, $0x1;
	s6 =	sadd.s32 s22, s4  }
0x9e: {  	[timem:s8], [sflag:s23] =	dma.local [hbm:s6], s21  }
0x9f: {  	_ =	swait.ge [sflag:s23], s21  }
0xa0: {  	s5 =	ssub.s32 $0x0, s21;
	[sflag:s23] =	ssyncset.done $0x0  }
0xa1: {  	[sflag:s23] =	ssyncadd.s32 s5;
	_ =	sdelay $0x1  }
0xa2: {  	s24 =	simm.s32 $0x1B8B  }
0xa3: {  	_ =	swait.ge [sflag:s24], $0x1  }
0xa4: {  	[sflag:s24] =	ssyncset.done $0x0  }
0xa5: {  	s25 =	simm.s32 $0x1B8E;
	[sflag:s24] =	ssyncadd.s32 $0xFFFFFFFF  }
0xa6: {  	s26 =	simm.s32 $execute0_lowered;
	[smem:$0x3FD2] =	sst s25  }
0xa7: {  	s5 =	sshll.u32 s26, $0x1;
	_ =	strace $0x80000046;
	[dreg:$0x1] =	wrdreg $0xFFFFFFFF  }
0xa8: {  	s28 =	simm.s32 $_size_execute0_lowered;
	s4 =	sadd.s32 s4, s5;
	[dreg:$0x0] =	wrdreg $0x0  }
0xa9: {  	s5 =	sshll.u32 s28, $0x1;
	[dreg:$0x2] =	wrdreg s4  }
0xaa: {  	[dreg:$0x3] =	wrdreg s5  }
0xab: {  	[dreg:$0x4] =	wrdreg $0xC0  }
0xac: {  	_ =	task [dreg:s8], $0x5FFFF  }
0xad: {  	[dreg:$0x1] =	wrdreg $0xFFFFFFFF  }
0xae: {  	[dreg:$0x0] =	wrdreg $0x60  }
0xaf: {  	[dreg:$0x2] =	wrdreg s2  }
0xb0: {  	[dreg:$0x3] =	wrdreg s19  }
0xb1: {  	[dreg:$0x4] =	wrdreg $0x9  }
0xb2: {  	_ =	task.clear_ibuf [dreg:s8], $0x5FFFF;
	_ =	strace $0x90000046  }
0xb3: {  	s29 =	simm.s32 $0x9;
	_ =	strace $0x80000048  }
0xb4: {  	_ =	swait.ge [sflag:s29], $0x1  }
0xb5: {  	[sflag:s29] =	ssyncadd.s32 $0xFFFFFFFF  }
0xb6: {  	_ =	strace $0x90000048  }
0xb7: {  	_ =	sfence  }
0xb8: {  	s30 =	sld [smem:$0x0];
	_ =	sdelay $0x2  }
0xb9: {  	s31 =	sshll.u32 s1, $0xD;
	s1 =	sshrl.u32 s1, $0x2  }
0xba: {  	s3 =	sand.u32 $0x4000, s31;
	s1 =	sadd.s32 s1, s30  }
0xbb: {  	s0 =	sor.u32 s3, s0;
	s1 =	sshll.u32 s1, $0x11  }
0xbc: {  	s0 =	sor.u32 s1, s0  }
0xbd: {  	s0 =	sadd.s32 $0x8F2B, s0  }
0xbe: {  	[sflag:s0] =	ssyncadd.remote.s32 $0x1  }
0xbf: {  	_ =	sfence.sel $0xFFFF  }
0xc0: {  	[dreg:$0x0] =	wrdreg $0xFFFFFFFF;
	(pc) =	sbr.abs _section_cstart, $3  }
0xc1: {  	[dreg:$0x1] =	wrdreg $0xFFFFFFFF  }
0xc2: {  	_ =	task.clear_ibuf [dreg:s8], $0x2FFFF;
	_ =	strace $0x9FFFFFFF  }
0xc3: {  	(tm) =	ssettm $0x7FFFFFFF  }
tec
execute0_lowered:
.L_overlay_start_1:
0x0: {  	(tag) =	ssettag $0x1  }
0x1: {  	s3 =	rddreg [dreg:$0x0]  }
0x2: {  	s4 =	rddreg [dreg:$0x1];
	s1 =	srdreg.scid  }
0x3: {  	s0 =	rddreg [dreg:$0x2];
	s2 =	simm.s32 $0x0;
	s9 =	simm.s32 $0x400  }
0x4: {  	s5 =	sand.u32 $0x1, s1;
	[smem:$0x7FF] =	sst s2;
	s1 =	stileid.u32  }
0x5: {  	s6 =	ssub.s32 $0x2, s5;
	_ =	strace $0x80000047;
	s8 =	sshll.u32 s1, $0x1  }
0x6: {  	s31 =	sshll.u32 s1, $0x8;
	s7 =	sshrl.u32 s6, $0x1;
	s5 =	sor.u32 s5, s8  }
0x7: {  	s6 =	ssub.s32 s6, s7;
	s8 =	sshll.u32 s5, $0x11;
	s5 =	sshll.u32 s5, $0x4  }
0x8: {  	s7 =	sand.u32 $0xC00, s31;
	s3 =	sadd.s32 s3, s8;
	s5 =	sand.u32 $0x70, s5  }
0x9: {  	v1 =	vlaneseq.u32;
	s4 =	sadd.s32 s4, s7;
	s7 =	simm.s32 $0x8400;
	s8 =	simm.s32 $0x80  }
0xa: {  	v0 =	vimm.f32 $-Inf;
	v1 =	vmul.u32 $0x8, v1;
	s4 =	sadd.s32 s5, s4;
	s5 =	smax.u32 s6, $0x1;
	s6 =	simm.s32 $0x1  }
.LBB2_1:
0xb: {  	[tilespmem:$0x8000] =	vst v0  }
0xc: {  	[tilespmem:$0x8010] =	vst v0  }
0xd: {  	[tilespmem:$0x8020] =	vst v0  }
0xe: {  	[tilespmem:$0x8030] =	vst v0  }
0xf: {  	[tilespmem:$0x8040] =	vst v0  }
0x10: {  	[tilespmem:$0x8050] =	vst v0  }
0x11: {  	[tilespmem:$0x8060] =	vst v0  }
0x12: {  	[tilespmem:$0x8070] =	vst v0  }
0x13: {  	[tilespmem:$0x8080] =	vst v0  }
0x14: {  	[tilespmem:$0x8090] =	vst v0  }
0x15: {  	[tilespmem:$0x80A0] =	vst v0  }
0x16: {  	[tilespmem:$0x80B0] =	vst v0  }
0x17: {  	[tilespmem:$0x80C0] =	vst v0  }
0x18: {  	[tilespmem:$0x80D0] =	vst v0  }
0x19: {  	[tilespmem:$0x80E0] =	vst v0  }
0x1a: {  	[tilespmem:$0x80F0] =	vst v0  }
0x1b: {  	[tilespmem:$0x8100] =	vst v0  }
0x1c: {  	[tilespmem:$0x8110] =	vst v0  }
0x1d: {  	[tilespmem:$0x8120] =	vst v0  }
0x1e: {  	[tilespmem:$0x8130] =	vst v0  }
0x1f: {  	[tilespmem:$0x8140] =	vst v0  }
0x20: {  	[tilespmem:$0x8150] =	vst v0  }
0x21: {  	[tilespmem:$0x8160] =	vst v0  }
0x22: {  	[tilespmem:$0x8170] =	vst v0  }
0x23: {  	[tilespmem:$0x8180] =	vst v0  }
0x24: {  	[tilespmem:$0x8190] =	vst v0  }
0x25: {  	[tilespmem:$0x81A0] =	vst v0  }
0x26: {  	[tilespmem:$0x81B0] =	vst v0  }
0x27: {  	[tilespmem:$0x81C0] =	vst v0  }
0x28: {  	[tilespmem:$0x81D0] =	vst v0  }
0x29: {  	[tilespmem:$0x81E0] =	vst v0  }
0x2a: {  	[tilespmem:$0x81F0] =	vst v0  }
0x2b: {  	[tilespmem:$0x8200] =	vst v0  }
0x2c: {  	[tilespmem:$0x8210] =	vst v0  }
0x2d: {  	[tilespmem:$0x8220] =	vst v0  }
0x2e: {  	[tilespmem:$0x8230] =	vst v0  }
0x2f: {  	[tilespmem:$0x8240] =	vst v0  }
0x30: {  	[tilespmem:$0x8250] =	vst v0  }
0x31: {  	[tilespmem:$0x8260] =	vst v0  }
0x32: {  	[tilespmem:$0x8270] =	vst v0  }
0x33: {  	[tilespmem:$0x8280] =	vst v0  }
0x34: {  	[tilespmem:$0x8290] =	vst v0  }
0x35: {  	[tilespmem:$0x82A0] =	vst v0  }
0x36: {  	[tilespmem:$0x82B0] =	vst v0  }
0x37: {  	[tilespmem:$0x82C0] =	vst v0  }
0x38: {  	[tilespmem:$0x82D0] =	vst v0  }
0x39: {  	[tilespmem:$0x82E0] =	vst v0  }
0x3a: {  	[tilespmem:$0x82F0] =	vst v0  }
0x3b: {  	[tilespmem:$0x8300] =	vst v0  }
0x3c: {  	[tilespmem:$0x8310] =	vst v0  }
0x3d: {  	[tilespmem:$0x8320] =	vst v0  }
0x3e: {  	[tilespmem:$0x8330] =	vst v0  }
0x3f: {  	[tilespmem:$0x8340] =	vst v0  }
0x40: {  	[tilespmem:$0x8350] =	vst v0  }
0x41: {  	[tilespmem:$0x8360] =	vst v0  }
0x42: {  	[tilespmem:$0x8370] =	vst v0  }
0x43: {  	[tilespmem:$0x8380] =	vst v0  }
0x44: {  	[tilespmem:$0x8390] =	vst v0  }
0x45: {  	[tilespmem:$0x83A0] =	vst v0  }
0x46: {  	[tilespmem:$0x83B0] =	vst v0  }
0x47: {  	[tilespmem:$0x83C0] =	vst v0  }
0x48: {  	[tilespmem:$0x83D0] =	vst v0  }
0x49: {  	[tilespmem:$0x83E0] =	vst v0  }
0x4a: {  	[tilespmem:$0x83F0] =	vst v0;
	s10 =	simm.s32 $0x0  }
.LBB2_2:
0x4b: {  	s11 =	sshll.u32 s10, $0xC  }
0x4c: {  	s12 =	simm.s32 $0x0;
	s11 =	sadd.s32 s11, s3  }
0x4d: {  	[tilespmem:s12], [sflag:$0x1] =	stream.linear.gather [hbm4b:s11+s12], $0x8000, $0x38;
	[tilespmem:$0x8800] =	vst v63  }
0x4e: {  	_ =	swait.ge [sflag:s6], $0x8000  }
0x4f: {  	[sflag:s6] =	ssyncset.done $0x0  }
0x50: {  	[sflag:s6] =	ssyncadd.s32 $0xFFFF8000  }
0x51: {  	s30 =	simm.s32 $0x0;
	v8 =	vld [tilespmem:$0x8000]  }
0x52: {  	v15 =	vld [tilespmem:s30+$0x0]  }
0x53: {  	v2 =	vld [tilespmem:$0x8080]  }
0x54: {  	v9 =	vld [tilespmem:$0x8100]  }
0x55: {  	v7 =	vld [tilespmem:$0x8180]  }
0x56: {  	v6 =	vld [tilespmem:$0x8200]  }
0x57: {  	v5 =	vld [tilespmem:$0x8280]  }
0x58: {  	s31 =	simm.s32 $0x80;
	v4 =	vld [tilespmem:$0x8300];
	v14 =	vmin.f32 v8, v15  }
0x59: {  	v16 =	vld [tilespmem:s31+$0x0];
	v13 =	vmin.f32 v2, v14  }
0x5a: {  	v3 =	vld [tilespmem:$0x8380];
	v12 =	vmin.f32 v9, v13  }
0x5b: {  	v11 =	vmin.f32 v7, v12  }
0x5c: {  	v10 =	vmin.f32 v6, v11  }
0x5d: {  	s11 =	simm.s32 $0x400;
	v15 =	vmax.f32 v8, v15;
	v8 =	vmin.f32 v5, v10  }
.LBB2_3:
0x5e: {  	s12 =	sshra.s32 s11, $0x2;
	p0 =	sne.s32 s11, $0x1FE00;
	s11 =	sadd.s32 $0x200, s11;
	v2 =	vmax.f32 v2, v14;
	v14 =	vmin.f32 v15, v16;
	v17 =	vmin.f32 v4, v8;
	v18 =	vmovc v16  }
.Ltmp0:
0x5f: {  	v9 =	vmax.f32 v9, v13;
	v16 =	vld [tilespmem:s12+$0x0];
	v13 =	vmin.f32 v2, v14;
	v3 =	vmax.f32 v3, v17;
	(pc) =	sbr.rel @p0 .LBB2_3-.Ltmp0, $4  }
0x60: {  	v7 =	vmax.f32 v7, v12;
	v12 =	vmin.f32 v9, v13  }
0x61: {  	v6 =	vmax.f32 v6, v11;
	v11 =	vmin.f32 v7, v12  }
0x62: {  	v5 =	vmax.f32 v5, v10;
	v10 =	vmin.f32 v6, v11  }
0x63: {  	v4 =	vmax.f32 v4, v8;
	v15 =	vmax.f32 v15, v18;
	v8 =	vmin.f32 v5, v10  }
0x64: {  	v17 =	vmin.f32 v15, v16  }
0x65: {  	v14 =	vmax.f32 v2, v14;
	v18 =	vmin.f32 v4, v8;
	v2 =	vmax.f32 v15, v16  }
0x66: {  	v9 =	vmax.f32 v9, v13;
	v15 =	vmin.f32 v14, v17;
	v13 =	vmax.f32 v14, v17;
	[tilespmem:$0x8000] =	vst v2  }
0x67: {  	v7 =	vmax.f32 v7, v12;
	v14 =	vmin.f32 v9, v15;
	v9 =	vmax.f32 v9, v15;
	[tilespmem:$0x8080] =	vst v13  }
0x68: {  	v6 =	vmax.f32 v6, v11;
	v12 =	vmin.f32 v7, v14;
	v7 =	vmax.f32 v7, v14;
	[tilespmem:$0x8100] =	vst v9  }
0x69: {  	v5 =	vmax.f32 v5, v10;
	v9 =	vmin.f32 v6, v12;
	v6 =	vmax.f32 v6, v12;
	[tilespmem:$0x8180] =	vst v7  }
0x6a: {  	v4 =	vmax.f32 v4, v8;
	v7 =	vmin.f32 v5, v9;
	v5 =	vmax.f32 v5, v9;
	[tilespmem:$0x8200] =	vst v6  }
0x6b: {  	v3 =	vmax.f32 v3, v18;
	v6 =	vmin.f32 v4, v7;
	v4 =	vmax.f32 v4, v7;
	[tilespmem:$0x8280] =	vst v5  }
0x6c: {  	v8 =	vld [tilespmem:$0x8010];
	v3 =	vmax.f32 v3, v6;
	[tilespmem:$0x8300] =	vst v4  }
0x6d: {  	s11 =	simm.s32 $0x0;
	v12 =	vld [tilespmem:$0x8090];
	[tilespmem:$0x8380] =	vst v3  }
0x6e: {  	v16 =	vld [tilespmem:s11+$0x10]  }
0x6f: {  	v9 =	vld [tilespmem:$0x8110]  }
0x70: {  	v7 =	vld [tilespmem:$0x8190]  }
0x71: {  	v5 =	vld [tilespmem:$0x8290]  }
0x72: {  	v6 =	vld [tilespmem:$0x8210]  }
0x73: {  	s12 =	simm.s32 $0x80;
	v4 =	vld [tilespmem:$0x8310];
	v15 =	vmin.f32 v8, v16  }
0x74: {  	v17 =	vld [tilespmem:s12+$0x10];
	v14 =	vmin.f32 v12, v15  }
0x75: {  	v3 =	vld [tilespmem:$0x8390];
	v13 =	vmin.f32 v9, v14  }
0x76: {  	v11 =	vmin.f32 v7, v13  }
0x77: {  	v10 =	vmin.f32 v6, v11  }
0x78: {  	s11 =	simm.s32 $0x400;
	v16 =	vmax.f32 v8, v16;
	v8 =	vmin.f32 v5, v10  }
.LBB2_5:
0x79: {  	s12 =	sshra.s32 s11, $0x2;
	p0 =	sne.s32 s11, $0x1FE00;
	s11 =	sadd.s32 $0x200, s11;
	v12 =	vmax.f32 v12, v15;
	v15 =	vmin.f32 v16, v17;
	v18 =	vmin.f32 v4, v8;
	v19 =	vmovc v17  }
.Ltmp1:
0x7a: {  	v9 =	vmax.f32 v9, v14;
	v17 =	vld [tilespmem:s12+$0x10];
	v14 =	vmin.f32 v12, v15;
	v3 =	vmax.f32 v3, v18;
	(pc) =	sbr.rel @p0 .LBB2_5-.Ltmp1, $4  }
0x7b: {  	v7 =	vmax.f32 v7, v13;
	v13 =	vmin.f32 v9, v14  }
0x7c: {  	v6 =	vmax.f32 v6, v11;
	v11 =	vmin.f32 v7, v13  }
0x7d: {  	v5 =	vmax.f32 v5, v10;
	v10 =	vmin.f32 v6, v11  }
0x7e: {  	v4 =	vmax.f32 v4, v8;
	v16 =	vmax.f32 v16, v19;
	v8 =	vmin.f32 v5, v10  }
0x7f: {  	v18 =	vmin.f32 v16, v17  }
0x80: {  	v12 =	vmax.f32 v12, v15;
	v15 =	vmin.f32 v4, v8;
	v16 =	vmax.f32 v16, v17  }
0x81: {  	v9 =	vmax.f32 v9, v14;
	v17 =	vmin.f32 v12, v18;
	v12 =	vmax.f32 v12, v18;
	[tilespmem:$0x8010] =	vst v16  }
0x82: {  	v7 =	vmax.f32 v7, v13;
	v14 =	vmin.f32 v9, v17;
	v9 =	vmax.f32 v9, v17;
	[tilespmem:$0x8090] =	vst v12  }
0x83: {  	v6 =	vmax.f32 v6, v11;
	v12 =	vmin.f32 v7, v14;
	v7 =	vmax.f32 v7, v14;
	[tilespmem:$0x8110] =	vst v9  }
0x84: {  	v5 =	vmax.f32 v5, v10;
	v9 =	vmin.f32 v6, v12;
	v6 =	vmax.f32 v6, v12;
	[tilespmem:$0x8190] =	vst v7  }
0x85: {  	v4 =	vmax.f32 v4, v8;
	v7 =	vmin.f32 v5, v9;
	v5 =	vmax.f32 v5, v9;
	[tilespmem:$0x8210] =	vst v6  }
0x86: {  	v3 =	vmax.f32 v3, v15;
	v6 =	vmin.f32 v4, v7;
	v4 =	vmax.f32 v4, v7;
	[tilespmem:$0x8290] =	vst v5  }
0x87: {  	v8 =	vld [tilespmem:$0x8020];
	v3 =	vmax.f32 v3, v6;
	[tilespmem:$0x8310] =	vst v4  }
0x88: {  	s11 =	simm.s32 $0x0;
	v12 =	vld [tilespmem:$0x80A0];
	[tilespmem:$0x8390] =	vst v3  }
0x89: {  	v16 =	vld [tilespmem:s11+$0x20]  }
0x8a: {  	v9 =	vld [tilespmem:$0x8120]  }
0x8b: {  	v7 =	vld [tilespmem:$0x81A0]  }
0x8c: {  	v5 =	vld [tilespmem:$0x82A0]  }
0x8d: {  	v6 =	vld [tilespmem:$0x8220]  }
0x8e: {  	s12 =	simm.s32 $0x80;
	v4 =	vld [tilespmem:$0x8320];
	v15 =	vmin.f32 v8, v16  }
0x8f: {  	v17 =	vld [tilespmem:s12+$0x20];
	v14 =	vmin.f32 v12, v15  }
0x90: {  	v3 =	vld [tilespmem:$0x83A0];
	v13 =	vmin.f32 v9, v14  }
0x91: {  	v11 =	vmin.f32 v7, v13  }
0x92: {  	v10 =	vmin.f32 v6, v11  }
0x93: {  	s11 =	simm.s32 $0x400;
	v16 =	vmax.f32 v8, v16;
	v8 =	vmin.f32 v5, v10  }
.LBB2_7:
0x94: {  	s12 =	sshra.s32 s11, $0x2;
	p0 =	sne.s32 s11, $0x1FE00;
	s11 =	sadd.s32 $0x200, s11;
	v12 =	vmax.f32 v12, v15;
	v15 =	vmin.f32 v16, v17;
	v18 =	vmin.f32 v4, v8;
	v19 =	vmovc v17  }
.Ltmp2:
0x95: {  	v9 =	vmax.f32 v9, v14;
	v17 =	vld [tilespmem:s12+$0x20];
	v14 =	vmin.f32 v12, v15;
	v3 =	vmax.f32 v3, v18;
	(pc) =	sbr.rel @p0 .LBB2_7-.Ltmp2, $4  }
0x96: {  	v7 =	vmax.f32 v7, v13;
	v13 =	vmin.f32 v9, v14  }
0x97: {  	v6 =	vmax.f32 v6, v11;
	v11 =	vmin.f32 v7, v13  }
0x98: {  	v5 =	vmax.f32 v5, v10;
	v10 =	vmin.f32 v6, v11  }
0x99: {  	v4 =	vmax.f32 v4, v8;
	v16 =	vmax.f32 v16, v19;
	v8 =	vmin.f32 v5, v10  }
0x9a: {  	v18 =	vmin.f32 v16, v17  }
0x9b: {  	v12 =	vmax.f32 v12, v15;
	v15 =	vmin.f32 v4, v8;
	v16 =	vmax.f32 v16, v17  }
0x9c: {  	v9 =	vmax.f32 v9, v14;
	v17 =	vmin.f32 v12, v18;
	v12 =	vmax.f32 v12, v18;
	[tilespmem:$0x8020] =	vst v16  }
0x9d: {  	v7 =	vmax.f32 v7, v13;
	v14 =	vmin.f32 v9, v17;
	v9 =	vmax.f32 v9, v17;
	[tilespmem:$0x80A0] =	vst v12  }
0x9e: {  	v6 =	vmax.f32 v6, v11;
	v12 =	vmin.f32 v7, v14;
	v7 =	vmax.f32 v7, v14;
	[tilespmem:$0x8120] =	vst v9  }
0x9f: {  	v5 =	vmax.f32 v5, v10;
	v9 =	vmin.f32 v6, v12;
	v6 =	vmax.f32 v6, v12;
	[tilespmem:$0x81A0] =	vst v7  }
0xa0: {  	v4 =	vmax.f32 v4, v8;
	v7 =	vmin.f32 v5, v9;
	v5 =	vmax.f32 v5, v9;
	[tilespmem:$0x8220] =	vst v6  }
0xa1: {  	v3 =	vmax.f32 v3, v15;
	v6 =	vmin.f32 v4, v7;
	v4 =	vmax.f32 v4, v7;
	[tilespmem:$0x82A0] =	vst v5  }
0xa2: {  	v8 =	vld [tilespmem:$0x8030];
	v3 =	vmax.f32 v3, v6;
	[tilespmem:$0x8320] =	vst v4  }
0xa3: {  	s11 =	simm.s32 $0x0;
	v12 =	vld [tilespmem:$0x80B0];
	[tilespmem:$0x83A0] =	vst v3  }
0xa4: {  	v16 =	vld [tilespmem:s11+$0x30]  }
0xa5: {  	v9 =	vld [tilespmem:$0x8130]  }
0xa6: {  	v7 =	vld [tilespmem:$0x81B0]  }
0xa7: {  	v5 =	vld [tilespmem:$0x82B0]  }
0xa8: {  	v6 =	vld [tilespmem:$0x8230]  }
0xa9: {  	s12 =	simm.s32 $0x80;
	v4 =	vld [tilespmem:$0x8330];
	v15 =	vmin.f32 v8, v16  }
0xaa: {  	v17 =	vld [tilespmem:s12+$0x30];
	v14 =	vmin.f32 v12, v15  }
0xab: {  	v3 =	vld [tilespmem:$0x83B0];
	v13 =	vmin.f32 v9, v14  }
0xac: {  	v11 =	vmin.f32 v7, v13  }
0xad: {  	v10 =	vmin.f32 v6, v11  }
0xae: {  	s11 =	simm.s32 $0x400;
	v16 =	vmax.f32 v8, v16;
	v8 =	vmin.f32 v5, v10  }
.LBB2_9:
0xaf: {  	s12 =	sshra.s32 s11, $0x2;
	p0 =	sne.s32 s11, $0x1FE00;
	s11 =	sadd.s32 $0x200, s11;
	v12 =	vmax.f32 v12, v15;
	v15 =	vmin.f32 v16, v17;
	v18 =	vmin.f32 v4, v8;
	v19 =	vmovc v17  }
.Ltmp3:
0xb0: {  	v9 =	vmax.f32 v9, v14;
	v17 =	vld [tilespmem:s12+$0x30];
	v14 =	vmin.f32 v12, v15;
	v3 =	vmax.f32 v3, v18;
	(pc) =	sbr.rel @p0 .LBB2_9-.Ltmp3, $4  }
0xb1: {  	v7 =	vmax.f32 v7, v13;
	v13 =	vmin.f32 v9, v14  }
0xb2: {  	v6 =	vmax.f32 v6, v11;
	v11 =	vmin.f32 v7, v13  }
0xb3: {  	v5 =	vmax.f32 v5, v10;
	v10 =	vmin.f32 v6, v11  }
0xb4: {  	v4 =	vmax.f32 v4, v8;
	v16 =	vmax.f32 v16, v19;
	v8 =	vmin.f32 v5, v10  }
0xb5: {  	v18 =	vmin.f32 v16, v17  }
0xb6: {  	v12 =	vmax.f32 v12, v15;
	v15 =	vmin.f32 v4, v8;
	v16 =	vmax.f32 v16, v17  }
0xb7: {  	v9 =	vmax.f32 v9, v14;
	v17 =	vmin.f32 v12, v18;
	v12 =	vmax.f32 v12, v18;
	[tilespmem:$0x8030] =	vst v16  }
0xb8: {  	v7 =	vmax.f32 v7, v13;
	v14 =	vmin.f32 v9, v17;
	v9 =	vmax.f32 v9, v17;
	[tilespmem:$0x80B0] =	vst v12  }
0xb9: {  	v6 =	vmax.f32 v6, v11;
	v12 =	vmin.f32 v7, v14;
	v7 =	vmax.f32 v7, v14;
	[tilespmem:$0x8130] =	vst v9  }
0xba: {  	v5 =	vmax.f32 v5, v10;
	v9 =	vmin.f32 v6, v12;
	v6 =	vmax.f32 v6, v12;
	[tilespmem:$0x81B0] =	vst v7  }
0xbb: {  	v4 =	vmax.f32 v4, v8;
	v7 =	vmin.f32 v5, v9;
	v5 =	vmax.f32 v5, v9;
	[tilespmem:$0x8230] =	vst v6  }
0xbc: {  	v3 =	vmax.f32 v3, v15;
	v6 =	vmin.f32 v4, v7;
	v4 =	vmax.f32 v4, v7;
	[tilespmem:$0x82B0] =	vst v5  }
0xbd: {  	v8 =	vld [tilespmem:$0x8040];
	v3 =	vmax.f32 v3, v6;
	[tilespmem:$0x8330] =	vst v4  }
0xbe: {  	s11 =	simm.s32 $0x0;
	v12 =	vld [tilespmem:$0x80C0];
	[tilespmem:$0x83B0] =	vst v3  }
0xbf: {  	v16 =	vld [tilespmem:s11+$0x40]  }
0xc0: {  	v9 =	vld [tilespmem:$0x8140]  }
0xc1: {  	v7 =	vld [tilespmem:$0x81C0]  }
0xc2: {  	v5 =	vld [tilespmem:$0x82C0]  }
0xc3: {  	v6 =	vld [tilespmem:$0x8240]  }
0xc4: {  	s12 =	simm.s32 $0x80;
	v4 =	vld [tilespmem:$0x8340];
	v15 =	vmin.f32 v8, v16  }
0xc5: {  	v17 =	vld [tilespmem:s12+$0x40];
	v14 =	vmin.f32 v12, v15  }
0xc6: {  	v3 =	vld [tilespmem:$0x83C0];
	v13 =	vmin.f32 v9, v14  }
0xc7: {  	v11 =	vmin.f32 v7, v13  }
0xc8: {  	v10 =	vmin.f32 v6, v11  }
0xc9: {  	s11 =	simm.s32 $0x400;
	v16 =	vmax.f32 v8, v16;
	v8 =	vmin.f32 v5, v10  }
.LBB2_11:
0xca: {  	s12 =	sshra.s32 s11, $0x2;
	p0 =	sne.s32 s11, $0x1FE00;
	s11 =	sadd.s32 $0x200, s11;
	v12 =	vmax.f32 v12, v15;
	v15 =	vmin.f32 v16, v17;
	v18 =	vmin.f32 v4, v8;
	v19 =	vmovc v17  }
.Ltmp4:
0xcb: {  	v9 =	vmax.f32 v9, v14;
	v17 =	vld [tilespmem:s12+$0x40];
	v14 =	vmin.f32 v12, v15;
	v3 =	vmax.f32 v3, v18;
	(pc) =	sbr.rel @p0 .LBB2_11-.Ltmp4, $4  }
0xcc: {  	v7 =	vmax.f32 v7, v13;
	v13 =	vmin.f32 v9, v14  }
0xcd: {  	v6 =	vmax.f32 v6, v11;
	v11 =	vmin.f32 v7, v13  }
0xce: {  	v5 =	vmax.f32 v5, v10;
	v10 =	vmin.f32 v6, v11  }
0xcf: {  	v4 =	vmax.f32 v4, v8;
	v16 =	vmax.f32 v16, v19;
	v8 =	vmin.f32 v5, v10  }
0xd0: {  	v18 =	vmin.f32 v16, v17  }
0xd1: {  	v12 =	vmax.f32 v12, v15;
	v15 =	vmin.f32 v4, v8;
	v16 =	vmax.f32 v16, v17  }
0xd2: {  	v9 =	vmax.f32 v9, v14;
	v17 =	vmin.f32 v12, v18;
	v12 =	vmax.f32 v12, v18;
	[tilespmem:$0x8040] =	vst v16  }
0xd3: {  	v7 =	vmax.f32 v7, v13;
	v14 =	vmin.f32 v9, v17;
	v9 =	vmax.f32 v9, v17;
	[tilespmem:$0x80C0] =	vst v12  }
0xd4: {  	v6 =	vmax.f32 v6, v11;
	v12 =	vmin.f32 v7, v14;
	v7 =	vmax.f32 v7, v14;
	[tilespmem:$0x8140] =	vst v9  }
0xd5: {  	v5 =	vmax.f32 v5, v10;
	v9 =	vmin.f32 v6, v12;
	v6 =	vmax.f32 v6, v12;
	[tilespmem:$0x81C0] =	vst v7  }
0xd6: {  	v4 =	vmax.f32 v4, v8;
	v7 =	vmin.f32 v5, v9;
	v5 =	vmax.f32 v5, v9;
	[tilespmem:$0x8240] =	vst v6  }
0xd7: {  	v3 =	vmax.f32 v3, v15;
	v6 =	vmin.f32 v4, v7;
	v4 =	vmax.f32 v4, v7;
	[tilespmem:$0x82C0] =	vst v5  }
0xd8: {  	v8 =	vld [tilespmem:$0x8050];
	v3 =	vmax.f32 v3, v6;
	[tilespmem:$0x8340] =	vst v4  }
0xd9: {  	s11 =	simm.s32 $0x0;
	v12 =	vld [tilespmem:$0x80D0];
	[tilespmem:$0x83C0] =	vst v3  }
0xda: {  	v16 =	vld [tilespmem:s11+$0x50]  }
0xdb: {  	v9 =	vld [tilespmem:$0x8150]  }
0xdc: {  	v7 =	vld [tilespmem:$0x81D0]  }
0xdd: {  	v5 =	vld [tilespmem:$0x82D0]  }
0xde: {  	v6 =	vld [tilespmem:$0x8250]  }
0xdf: {  	s12 =	simm.s32 $0x80;
	v4 =	vld [tilespmem:$0x8350];
	v15 =	vmin.f32 v8, v16  }
0xe0: {  	v17 =	vld [tilespmem:s12+$0x50];
	v14 =	vmin.f32 v12, v15  }
0xe1: {  	v3 =	vld [tilespmem:$0x83D0];
	v13 =	vmin.f32 v9, v14  }
0xe2: {  	v11 =	vmin.f32 v7, v13  }
0xe3: {  	v10 =	vmin.f32 v6, v11  }
0xe4: {  	s11 =	simm.s32 $0x400;
	v16 =	vmax.f32 v8, v16;
	v8 =	vmin.f32 v5, v10  }
.LBB2_13:
0xe5: {  	s12 =	sshra.s32 s11, $0x2;
	p0 =	sne.s32 s11, $0x1FE00;
	s11 =	sadd.s32 $0x200, s11;
	v12 =	vmax.f32 v12, v15;
	v15 =	vmin.f32 v16, v17;
	v18 =	vmin.f32 v4, v8;
	v19 =	vmovc v17  }
.Ltmp5:
0xe6: {  	v9 =	vmax.f32 v9, v14;
	v17 =	vld [tilespmem:s12+$0x50];
	v14 =	vmin.f32 v12, v15;
	v3 =	vmax.f32 v3, v18;
	(pc) =	sbr.rel @p0 .LBB2_13-.Ltmp5, $4  }
0xe7: {  	v7 =	vmax.f32 v7, v13;
	v13 =	vmin.f32 v9, v14  }
0xe8: {  	v6 =	vmax.f32 v6, v11;
	v11 =	vmin.f32 v7, v13  }
0xe9: {  	v5 =	vmax.f32 v5, v10;
	v10 =	vmin.f32 v6, v11  }
0xea: {  	v4 =	vmax.f32 v4, v8;
	v16 =	vmax.f32 v16, v19;
	v8 =	vmin.f32 v5, v10  }
0xeb: {  	v18 =	vmin.f32 v16, v17  }
0xec: {  	v12 =	vmax.f32 v12, v15;
	v15 =	vmin.f32 v4, v8;
	v16 =	vmax.f32 v16, v17  }
0xed: {  	v9 =	vmax.f32 v9, v14;
	v17 =	vmin.f32 v12, v18;
	v12 =	vmax.f32 v12, v18;
	[tilespmem:$0x8050] =	vst v16  }
0xee: {  	v7 =	vmax.f32 v7, v13;
	v14 =	vmin.f32 v9, v17;
	v9 =	vmax.f32 v9, v17;
	[tilespmem:$0x80D0] =	vst v12  }
0xef: {  	v6 =	vmax.f32 v6, v11;
	v12 =	vmin.f32 v7, v14;
	v7 =	vmax.f32 v7, v14;
	[tilespmem:$0x8150] =	vst v9  }
0xf0: {  	v5 =	vmax.f32 v5, v10;
	v9 =	vmin.f32 v6, v12;
	v6 =	vmax.f32 v6, v12;
	[tilespmem:$0x81D0] =	vst v7  }
0xf1: {  	v4 =	vmax.f32 v4, v8;
	v7 =	vmin.f32 v5, v9;
	v5 =	vmax.f32 v5, v9;
	[tilespmem:$0x8250] =	vst v6  }
0xf2: {  	v3 =	vmax.f32 v3, v15;
	v6 =	vmin.f32 v4, v7;
	v4 =	vmax.f32 v4, v7;
	[tilespmem:$0x82D0] =	vst v5  }
0xf3: {  	v8 =	vld [tilespmem:$0x8060];
	v3 =	vmax.f32 v3, v6;
	[tilespmem:$0x8350] =	vst v4  }
0xf4: {  	s11 =	simm.s32 $0x0;
	v12 =	vld [tilespmem:$0x80E0];
	[tilespmem:$0x83D0] =	vst v3  }
0xf5: {  	v16 =	vld [tilespmem:s11+$0x60]  }
0xf6: {  	v9 =	vld [tilespmem:$0x8160]  }
0xf7: {  	v7 =	vld [tilespmem:$0x81E0]  }
0xf8: {  	v5 =	vld [tilespmem:$0x82E0]  }
0xf9: {  	v6 =	vld [tilespmem:$0x8260]  }
0xfa: {  	s12 =	simm.s32 $0x80;
	v4 =	vld [tilespmem:$0x8360];
	v15 =	vmin.f32 v8, v16  }
0xfb: {  	v17 =	vld [tilespmem:s12+$0x60];
	v14 =	vmin.f32 v12, v15  }
0xfc: {  	v3 =	vld [tilespmem:$0x83E0];
	v13 =	vmin.f32 v9, v14  }
0xfd: {  	v11 =	vmin.f32 v7, v13  }
0xfe: {  	v10 =	vmin.f32 v6, v11  }
0xff: {  	s11 =	simm.s32 $0x400;
	v16 =	vmax.f32 v8, v16;
	v8 =	vmin.f32 v5, v10  }
.LBB2_15:
0x100: {  	s12 =	sshra.s32 s11, $0x2;
	p0 =	sne.s32 s11, $0x1FE00;
	s11 =	sadd.s32 $0x200, s11;
	v12 =	vmax.f32 v12, v15;
	v15 =	vmin.f32 v16, v17;
	v18 =	vmin.f32 v4, v8;
	v19 =	vmovc v17  }
.Ltmp6:
0x101: {  	v9 =	vmax.f32 v9, v14;
	v17 =	vld [tilespmem:s12+$0x60];
	v14 =	vmin.f32 v12, v15;
	v3 =	vmax.f32 v3, v18;
	(pc) =	sbr.rel @p0 .LBB2_15-.Ltmp6, $4  }
0x102: {  	v7 =	vmax.f32 v7, v13;
	v13 =	vmin.f32 v9, v14  }
0x103: {  	v6 =	vmax.f32 v6, v11;
	v11 =	vmin.f32 v7, v13  }
0x104: {  	v5 =	vmax.f32 v5, v10;
	v10 =	vmin.f32 v6, v11  }
0x105: {  	v4 =	vmax.f32 v4, v8;
	v16 =	vmax.f32 v16, v19;
	v8 =	vmin.f32 v5, v10  }
0x106: {  	v18 =	vmin.f32 v16, v17  }
0x107: {  	v12 =	vmax.f32 v12, v15;
	v15 =	vmin.f32 v4, v8;
	v16 =	vmax.f32 v16, v17  }
0x108: {  	v9 =	vmax.f32 v9, v14;
	v17 =	vmin.f32 v12, v18;
	v12 =	vmax.f32 v12, v18;
	[tilespmem:$0x8060] =	vst v16  }
0x109: {  	v7 =	vmax.f32 v7, v13;
	v14 =	vmin.f32 v9, v17;
	v9 =	vmax.f32 v9, v17;
	[tilespmem:$0x80E0] =	vst v12  }
0x10a: {  	v6 =	vmax.f32 v6, v11;
	v12 =	vmin.f32 v7, v14;
	v7 =	vmax.f32 v7, v14;
	[tilespmem:$0x8160] =	vst v9  }
0x10b: {  	v5 =	vmax.f32 v5, v10;
	v9 =	vmin.f32 v6, v12;
	v6 =	vmax.f32 v6, v12;
	[tilespmem:$0x81E0] =	vst v7  }
0x10c: {  	v4 =	vmax.f32 v4, v8;
	v7 =	vmin.f32 v5, v9;
	v5 =	vmax.f32 v5, v9;
	[tilespmem:$0x8260] =	vst v6  }
0x10d: {  	v3 =	vmax.f32 v3, v15;
	v6 =	vmin.f32 v4, v7;
	v4 =	vmax.f32 v4, v7;
	[tilespmem:$0x82E0] =	vst v5  }
0x10e: {  	v8 =	vld [tilespmem:$0x8070];
	v3 =	vmax.f32 v3, v6;
	[tilespmem:$0x8360] =	vst v4  }
0x10f: {  	s11 =	simm.s32 $0x0;
	v12 =	vld [tilespmem:$0x80F0];
	[tilespmem:$0x83E0] =	vst v3  }
0x110: {  	v16 =	vld [tilespmem:s11+$0x70]  }
0x111: {  	v9 =	vld [tilespmem:$0x8170]  }
0x112: {  	v7 =	vld [tilespmem:$0x81F0]  }
0x113: {  	v5 =	vld [tilespmem:$0x82F0]  }
0x114: {  	v6 =	vld [tilespmem:$0x8270]  }
0x115: {  	s12 =	simm.s32 $0x80;
	v4 =	vld [tilespmem:$0x8370];
	v15 =	vmin.f32 v8, v16  }
0x116: {  	v17 =	vld [tilespmem:s12+$0x70];
	v14 =	vmin.f32 v12, v15  }
0x117: {  	v3 =	vld [tilespmem:$0x83F0];
	v13 =	vmin.f32 v9, v14  }
0x118: {  	v11 =	vmin.f32 v7, v13  }
0x119: {  	v10 =	vmin.f32 v6, v11  }
0x11a: {  	s11 =	simm.s32 $0x400;
	v16 =	vmax.f32 v8, v16;
	v8 =	vmin.f32 v5, v10  }
.LBB2_17:
0x11b: {  	s12 =	sshra.s32 s11, $0x2;
	p0 =	sne.s32 s11, $0x1FE00;
	s11 =	sadd.s32 $0x200, s11;
	v12 =	vmax.f32 v12, v15;
	v15 =	vmin.f32 v16, v17;
	v18 =	vmin.f32 v4, v8;
	v19 =	vmovc v17  }
.Ltmp7:
0x11c: {  	v9 =	vmax.f32 v9, v14;
	v17 =	vld [tilespmem:s12+$0x70];
	v14 =	vmin.f32 v12, v15;
	v3 =	vmax.f32 v3, v18;
	(pc) =	sbr.rel @p0 .LBB2_17-.Ltmp7, $4  }
0x11d: {  	v7 =	vmax.f32 v7, v13;
	v13 =	vmin.f32 v9, v14  }
0x11e: {  	v6 =	vmax.f32 v6, v11;
	v11 =	vmin.f32 v7, v13  }
0x11f: {  	v5 =	vmax.f32 v5, v10;
	v10 =	vmin.f32 v6, v11  }
0x120: {  	v4 =	vmax.f32 v4, v8;
	v16 =	vmax.f32 v16, v19;
	v8 =	vmin.f32 v5, v10  }
0x121: {  	v18 =	vmin.f32 v16, v17  }
0x122: {  	v12 =	vmax.f32 v12, v15;
	v56 =	vmin.f32 v4, v8;
	v57 =	vmax.f32 v16, v17  }
0x123: {  	v9 =	vmax.f32 v9, v14;
	v58 =	vmin.f32 v12, v18;
	v12 =	vmax.f32 v12, v18;
	[tilespmem:$0x8070] =	vst v57  }
0x124: {  	v7 =	vmax.f32 v7, v13;
	s10 =	sadd.s32 $0x1, s10;
	v14 =	vmin.f32 v9, v58;
	v9 =	vmax.f32 v9, v58;
	[tilespmem:$0x80F0] =	vst v12  }
0x125: {  	v6 =	vmax.f32 v6, v11;
	p0 =	sne.s32 s10, $0x20;
	v59 =	vmin.f32 v7, v14;
	v7 =	vmax.f32 v7, v14;
	[tilespmem:$0x8170] =	vst v9  }
.Ltmp8:
0x126: {  	v5 =	vmax.f32 v5, v10;
	v60 =	vmin.f32 v6, v59;
	v6 =	vmax.f32 v6, v59;
	[tilespmem:$0x81F0] =	vst v7;
	(pc) =	sbr.rel @p0 .LBB2_2-.Ltmp8, $4  }
0x127: {  	v62 =	vmax.f32 v4, v8;
	v61 =	vmin.f32 v5, v60;
	v5 =	vmax.f32 v5, v60;
	[tilespmem:$0x8270] =	vst v6  }
0x128: {  	v3 =	vmax.f32 v3, v56;
	v63 =	vmin.f32 v62, v61;
	v4 =	vmax.f32 v62, v61;
	[tilespmem:$0x82F0] =	vst v5  }
0x129: {  	v3 =	vmax.f32 v3, v63;
	[tilespmem:$0x8370] =	vst v4  }
0x12a: {  	[tilespmem:$0x83F0] =	vst v3  }
0x12b: {  	_ =	sdelay $0x3  }
0x12c: {  	[tilespmem:v1+s7+$0x0] =	vst.idx.msk $0xffff, v2  }
0x12d: {  	v3 =	vor.u32 $0x1, v1;
	v2 =	vld [tilespmem:$0x8080];
	_ =	sdelay $0x4  }
0x12e: {  	[tilespmem:v3+s7+$0x0] =	vst.idx.msk $0xffff, v2  }
0x12f: {  	v3 =	vor.u32 $0x2, v1;
	v2 =	vld [tilespmem:$0x8100];
	_ =	sdelay $0x4  }
0x130: {  	[tilespmem:v3+s7+$0x0] =	vst.idx.msk $0xffff, v2  }
0x131: {  	v3 =	vor.u32 $0x3, v1;
	v2 =	vld [tilespmem:$0x8180];
	_ =	sdelay $0x4  }
0x132: {  	[tilespmem:v3+s7+$0x0] =	vst.idx.msk $0xffff, v2  }
0x133: {  	v3 =	vor.u32 $0x4, v1;
	v2 =	vld [tilespmem:$0x8200];
	_ =	sdelay $0x4  }
0x134: {  	[tilespmem:v3+s7+$0x0] =	vst.idx.msk $0xffff, v2  }
0x135: {  	v3 =	vor.u32 $0x5, v1;
	v2 =	vld [tilespmem:$0x8280];
	_ =	sdelay $0x4  }
0x136: {  	[tilespmem:v3+s7+$0x0] =	vst.idx.msk $0xffff, v2  }
0x137: {  	v3 =	vor.u32 $0x6, v1;
	v2 =	vld [tilespmem:$0x8300];
	_ =	sdelay $0x4  }
0x138: {  	[tilespmem:v3+s7+$0x0] =	vst.idx.msk $0xffff, v2  }
0x139: {  	v3 =	vor.u32 $0x7, v1;
	v2 =	vld [tilespmem:$0x8380];
	_ =	sdelay $0x4  }
0x13a: {  	[tilespmem:v3+s7+$0x0] =	vst.idx.msk $0xffff, v2  }
0x13b: {  	v3 =	vor.u32 $0x80, v1;
	v2 =	vld [tilespmem:$0x8010];
	_ =	sdelay $0x4  }
0x13c: {  	[tilespmem:v3+s7+$0x0] =	vst.idx.msk $0xffff, v2  }
0x13d: {  	v3 =	vor.u32 $0x81, v1;
	v2 =	vld [tilespmem:$0x8090];
	_ =	sdelay $0x4  }
0x13e: {  	[tilespmem:v3+s7+$0x0] =	vst.idx.msk $0xffff, v2  }
0x13f: {  	v3 =	vor.u32 $0x82, v1;
	v2 =	vld [tilespmem:$0x8110];
	_ =	sdelay $0x4  }
0x140: {  	[tilespmem:v3+s7+$0x0] =	vst.idx.msk $0xffff, v2  }
0x141: {  	v3 =	vor.u32 $0x83, v1;
	v2 =	vld [tilespmem:$0x8190];
	_ =	sdelay $0x4  }
0x142: {  	[tilespmem:v3+s7+$0x0] =	vst.idx.msk $0xffff, v2  }
0x143: {  	v3 =	vor.u32 $0x84, v1;
	v2 =	vld [tilespmem:$0x8210];
	_ =	sdelay $0x4  }
0x144: {  	[tilespmem:v3+s7+$0x0] =	vst.idx.msk $0xffff, v2  }
0x145: {  	v3 =	vor.u32 $0x85, v1;
	v2 =	vld [tilespmem:$0x8290];
	_ =	sdelay $0x4  }
0x146: {  	[tilespmem:v3+s7+$0x0] =	vst.idx.msk $0xffff, v2  }
0x147: {  	v3 =	vor.u32 $0x86, v1;
	v2 =	vld [tilespmem:$0x8310];
	_ =	sdelay $0x4  }
0x148: {  	[tilespmem:v3+s7+$0x0] =	vst.idx.msk $0xffff, v2  }
0x149: {  	v3 =	vor.u32 $0x87, v1;
	v2 =	vld [tilespmem:$0x8390];
	_ =	sdelay $0x4  }
0x14a: {  	[tilespmem:v3+s7+$0x0] =	vst.idx.msk $0xffff, v2  }
0x14b: {  	v3 =	vor.u32 $0x100, v1;
	v2 =	vld [tilespmem:$0x8020];
	_ =	sdelay $0x4  }
0x14c: {  	[tilespmem:v3+s7+$0x0] =	vst.idx.msk $0xffff, v2  }
0x14d: {  	v3 =	vor.u32 $0x101, v1;
	v2 =	vld [tilespmem:$0x80A0];
	_ =	sdelay $0x4  }
0x14e: {  	[tilespmem:v3+s7+$0x0] =	vst.idx.msk $0xffff, v2  }
0x14f: {  	v3 =	vor.u32 $0x102, v1;
	v2 =	vld [tilespmem:$0x8120];
	_ =	sdelay $0x4  }
0x150: {  	[tilespmem:v3+s7+$0x0] =	vst.idx.msk $0xffff, v2  }
0x151: {  	v3 =	vor.u32 $0x103, v1;
	v2 =	vld [tilespmem:$0x81A0];
	_ =	sdelay $0x4  }
0x152: {  	[tilespmem:v3+s7+$0x0] =	vst.idx.msk $0xffff, v2  }
0x153: {  	v3 =	vor.u32 $0x104, v1;
	v2 =	vld [tilespmem:$0x8220];
	_ =	sdelay $0x4  }
0x154: {  	[tilespmem:v3+s7+$0x0] =	vst.idx.msk $0xffff, v2  }
0x155: {  	v3 =	vor.u32 $0x105, v1;
	v2 =	vld [tilespmem:$0x82A0];
	_ =	sdelay $0x4  }
0x156: {  	[tilespmem:v3+s7+$0x0] =	vst.idx.msk $0xffff, v2  }
0x157: {  	v3 =	vor.u32 $0x106, v1;
	v2 =	vld [tilespmem:$0x8320];
	_ =	sdelay $0x4  }
0x158: {  	[tilespmem:v3+s7+$0x0] =	vst.idx.msk $0xffff, v2  }
0x159: {  	v3 =	vor.u32 $0x107, v1;
	v2 =	vld [tilespmem:$0x83A0];
	_ =	sdelay $0x4  }
0x15a: {  	[tilespmem:v3+s7+$0x0] =	vst.idx.msk $0xffff, v2  }
0x15b: {  	v3 =	vor.u32 $0x180, v1;
	v2 =	vld [tilespmem:$0x8030];
	_ =	sdelay $0x4  }
0x15c: {  	[tilespmem:v3+s7+$0x0] =	vst.idx.msk $0xffff, v2  }
0x15d: {  	v3 =	vor.u32 $0x181, v1;
	v2 =	vld [tilespmem:$0x80B0];
	_ =	sdelay $0x4  }
0x15e: {  	[tilespmem:v3+s7+$0x0] =	vst.idx.msk $0xffff, v2  }
0x15f: {  	v3 =	vor.u32 $0x182, v1;
	v2 =	vld [tilespmem:$0x8130];
	_ =	sdelay $0x4  }
0x160: {  	[tilespmem:v3+s7+$0x0] =	vst.idx.msk $0xffff, v2  }
0x161: {  	v3 =	vor.u32 $0x183, v1;
	v2 =	vld [tilespmem:$0x81B0];
	_ =	sdelay $0x4  }
0x162: {  	[tilespmem:v3+s7+$0x0] =	vst.idx.msk $0xffff, v2  }
0x163: {  	v3 =	vor.u32 $0x184, v1;
	v2 =	vld [tilespmem:$0x8230];
	_ =	sdelay $0x4  }
0x164: {  	[tilespmem:v3+s7+$0x0] =	vst.idx.msk $0xffff, v2  }
0x165: {  	v3 =	vor.u32 $0x185, v1;
	v2 =	vld [tilespmem:$0x82B0];
	_ =	sdelay $0x4  }
0x166: {  	[tilespmem:v3+s7+$0x0] =	vst.idx.msk $0xffff, v2  }
0x167: {  	v3 =	vor.u32 $0x186, v1;
	v2 =	vld [tilespmem:$0x8330];
	_ =	sdelay $0x4  }
0x168: {  	[tilespmem:v3+s7+$0x0] =	vst.idx.msk $0xffff, v2  }
0x169: {  	v3 =	vor.u32 $0x187, v1;
	v2 =	vld [tilespmem:$0x83B0];
	_ =	sdelay $0x4  }
0x16a: {  	[tilespmem:v3+s7+$0x0] =	vst.idx.msk $0xffff, v2  }
0x16b: {  	v3 =	vor.u32 $0x200, v1;
	v2 =	vld [tilespmem:$0x8040];
	_ =	sdelay $0x4  }
0x16c: {  	[tilespmem:v3+s7+$0x0] =	vst.idx.msk $0xffff, v2  }
0x16d: {  	v3 =	vor.u32 $0x201, v1;
	v2 =	vld [tilespmem:$0x80C0];
	_ =	sdelay $0x4  }
0x16e: {  	[tilespmem:v3+s7+$0x0] =	vst.idx.msk $0xffff, v2  }
0x16f: {  	v3 =	vor.u32 $0x202, v1;
	v2 =	vld [tilespmem:$0x8140];
	_ =	sdelay $0x4  }
0x170: {  	[tilespmem:v3+s7+$0x0] =	vst.idx.msk $0xffff, v2  }
0x171: {  	v3 =	vor.u32 $0x203, v1;
	v2 =	vld [tilespmem:$0x81C0];
	_ =	sdelay $0x4  }
0x172: {  	[tilespmem:v3+s7+$0x0] =	vst.idx.msk $0xffff, v2  }
0x173: {  	v3 =	vor.u32 $0x204, v1;
	v2 =	vld [tilespmem:$0x8240];
	_ =	sdelay $0x4  }
0x174: {  	[tilespmem:v3+s7+$0x0] =	vst.idx.msk $0xffff, v2  }
0x175: {  	v3 =	vor.u32 $0x205, v1;
	v2 =	vld [tilespmem:$0x82C0];
	_ =	sdelay $0x4  }
0x176: {  	[tilespmem:v3+s7+$0x0] =	vst.idx.msk $0xffff, v2  }
0x177: {  	v3 =	vor.u32 $0x206, v1;
	v2 =	vld [tilespmem:$0x8340];
	_ =	sdelay $0x4  }
0x178: {  	[tilespmem:v3+s7+$0x0] =	vst.idx.msk $0xffff, v2  }
0x179: {  	v3 =	vor.u32 $0x207, v1;
	v2 =	vld [tilespmem:$0x83C0];
	_ =	sdelay $0x4  }
0x17a: {  	[tilespmem:v3+s7+$0x0] =	vst.idx.msk $0xffff, v2  }
0x17b: {  	v3 =	vor.u32 $0x280, v1;
	v2 =	vld [tilespmem:$0x8050];
	_ =	sdelay $0x4  }
0x17c: {  	[tilespmem:v3+s7+$0x0] =	vst.idx.msk $0xffff, v2  }
0x17d: {  	v3 =	vor.u32 $0x281, v1;
	v2 =	vld [tilespmem:$0x80D0];
	_ =	sdelay $0x4  }
0x17e: {  	[tilespmem:v3+s7+$0x0] =	vst.idx.msk $0xffff, v2  }
0x17f: {  	v3 =	vor.u32 $0x282, v1;
	v2 =	vld [tilespmem:$0x8150];
	_ =	sdelay $0x4  }
0x180: {  	[tilespmem:v3+s7+$0x0] =	vst.idx.msk $0xffff, v2  }
0x181: {  	v3 =	vor.u32 $0x283, v1;
	v2 =	vld [tilespmem:$0x81D0];
	_ =	sdelay $0x4  }
0x182: {  	[tilespmem:v3+s7+$0x0] =	vst.idx.msk $0xffff, v2  }
0x183: {  	v3 =	vor.u32 $0x284, v1;
	v2 =	vld [tilespmem:$0x8250];
	_ =	sdelay $0x4  }
0x184: {  	[tilespmem:v3+s7+$0x0] =	vst.idx.msk $0xffff, v2  }
0x185: {  	v3 =	vor.u32 $0x285, v1;
	v2 =	vld [tilespmem:$0x82D0];
	_ =	sdelay $0x4  }
0x186: {  	[tilespmem:v3+s7+$0x0] =	vst.idx.msk $0xffff, v2  }
0x187: {  	v3 =	vor.u32 $0x286, v1;
	v2 =	vld [tilespmem:$0x8350];
	_ =	sdelay $0x4  }
0x188: {  	[tilespmem:v3+s7+$0x0] =	vst.idx.msk $0xffff, v2  }
0x189: {  	v3 =	vor.u32 $0x287, v1;
	v2 =	vld [tilespmem:$0x83D0];
	_ =	sdelay $0x4  }
0x18a: {  	[tilespmem:v3+s7+$0x0] =	vst.idx.msk $0xffff, v2  }
0x18b: {  	v3 =	vor.u32 $0x300, v1;
	v2 =	vld [tilespmem:$0x8060];
	_ =	sdelay $0x4  }
0x18c: {  	[tilespmem:v3+s7+$0x0] =	vst.idx.msk $0xffff, v2  }
0x18d: {  	v3 =	vor.u32 $0x301, v1;
	v2 =	vld [tilespmem:$0x80E0];
	_ =	sdelay $0x4  }
0x18e: {  	[tilespmem:v3+s7+$0x0] =	vst.idx.msk $0xffff, v2  }
0x18f: {  	v3 =	vor.u32 $0x302, v1;
	v2 =	vld [tilespmem:$0x8160];
	_ =	sdelay $0x4  }
0x190: {  	[tilespmem:v3+s7+$0x0] =	vst.idx.msk $0xffff, v2  }
0x191: {  	v3 =	vor.u32 $0x303, v1;
	v2 =	vld [tilespmem:$0x81E0];
	_ =	sdelay $0x4  }
0x192: {  	[tilespmem:v3+s7+$0x0] =	vst.idx.msk $0xffff, v2  }
0x193: {  	v3 =	vor.u32 $0x304, v1;
	v2 =	vld [tilespmem:$0x8260];
	_ =	sdelay $0x4  }
0x194: {  	[tilespmem:v3+s7+$0x0] =	vst.idx.msk $0xffff, v2  }
0x195: {  	v3 =	vor.u32 $0x305, v1;
	v2 =	vld [tilespmem:$0x82E0];
	_ =	sdelay $0x4  }
0x196: {  	[tilespmem:v3+s7+$0x0] =	vst.idx.msk $0xffff, v2  }
0x197: {  	v3 =	vor.u32 $0x306, v1;
	v2 =	vld [tilespmem:$0x8360];
	_ =	sdelay $0x4  }
0x198: {  	[tilespmem:v3+s7+$0x0] =	vst.idx.msk $0xffff, v2  }
0x199: {  	v3 =	vor.u32 $0x307, v1;
	v2 =	vld [tilespmem:$0x83E0];
	_ =	sdelay $0x4  }
0x19a: {  	[tilespmem:v3+s7+$0x0] =	vst.idx.msk $0xffff, v2  }
0x19b: {  	v3 =	vor.u32 $0x380, v1;
	v2 =	vld [tilespmem:$0x8070];
	_ =	sdelay $0x4  }
0x19c: {  	[tilespmem:v3+s7+$0x0] =	vst.idx.msk $0xffff, v2  }
0x19d: {  	v3 =	vor.u32 $0x381, v1;
	v2 =	vld [tilespmem:$0x80F0];
	_ =	sdelay $0x4  }
0x19e: {  	[tilespmem:v3+s7+$0x0] =	vst.idx.msk $0xffff, v2  }
0x19f: {  	v3 =	vor.u32 $0x382, v1;
	v2 =	vld [tilespmem:$0x8170];
	_ =	sdelay $0x4  }
0x1a0: {  	[tilespmem:v3+s7+$0x0] =	vst.idx.msk $0xffff, v2  }
0x1a1: {  	v3 =	vor.u32 $0x383, v1;
	v2 =	vld [tilespmem:$0x81F0];
	_ =	sdelay $0x4  }
0x1a2: {  	[tilespmem:v3+s7+$0x0] =	vst.idx.msk $0xffff, v2  }
0x1a3: {  	v3 =	vor.u32 $0x384, v1;
	v2 =	vld [tilespmem:$0x8270];
	_ =	sdelay $0x4  }
0x1a4: {  	[tilespmem:v3+s7+$0x0] =	vst.idx.msk $0xffff, v2  }
0x1a5: {  	v3 =	vor.u32 $0x385, v1;
	v2 =	vld [tilespmem:$0x82F0];
	_ =	sdelay $0x4  }
0x1a6: {  	[tilespmem:v3+s7+$0x0] =	vst.idx.msk $0xffff, v2  }
0x1a7: {  	v3 =	vor.u32 $0x386, v1;
	v2 =	vld [tilespmem:$0x8370];
	_ =	sdelay $0x4  }
0x1a8: {  	[tilespmem:v3+s7+$0x0] =	vst.idx.msk $0xffff, v2  }
0x1a9: {  	v3 =	vor.u32 $0x387, v1;
	v2 =	vld [tilespmem:$0x83F0];
	_ =	sdelay $0x2  }
0x1aa: {  	s2 =	sadd.s32 $0x1, s2  }
0x1ab: {  	p0 =	sne.s32 s2, s5  }
.Ltmp9:
0x1ac: {  	[tilespmem:v3+s7+$0x0] =	vst.idx.msk $0xffff, v2;
	(pc) =	sbr.rel @p0 .LBB2_1-.Ltmp9, $4  }
0x1ad: {  	[hbm4b:s4+s8] =	stream.strided.scatter [tilespmem:s7], [sflag:$0x1], $0x400, s9, s8, $0x38;
	[tilespmem:$0x8800] =	vst v63  }
0x1ae: {  	_ =	swait.ge [sflag:s6], $0x400  }
0x1af: {  	[sflag:s6] =	ssyncset.done $0x0  }
0x1b0: {  	[sflag:s6] =	ssyncadd.s32 $0xFFFFFC00  }
0x1b1: {  	_ =	sfence.sel $0x180000  }
0x1b2: {  	[bflag:$0x0] =	sbarrier.arrive $0xFFFF  }
0x1b3: {  	p0 =	sne.s32 s1, $0x0;
	_ =	strace $0x90000047  }
0x1b4: {  	s0 =	sadd.s32 @!p0 $0x100000, s0;
	[bflag:$0x2] =	sbarrier.arrive $0xFFFF  }
0x1b5: {  	[sflag:s0] =	ssyncadd.tile.s32 @!p0 $0x1;
	_ =	shalt  }
.Lfunc_end2:
_tile_overlayer_lowered:
.L_overlay_start_2:
0x1b6: {  	(tag) =	ssettag $0x2  }
0x1b7: {  	s0 =	rddreg [dreg:$0x0];
	s2 =	stileid.u32  }
0x1b8: {  	s1 =	rddreg [dreg:$0x1];
	p0 =	sne.s32 s2, $0x0  }
0x1b9: {  	s3 =	rddreg [dreg:$0x2];
	[bflag:$0x3] =	sbarrier.arrive $0xFFFF;
	s2 =	simm.s32 @!p0 $0x1C01  }
0x1ba: {  	[timem:s3], [sflag:s2] =	dma.local @!p0 [hbm:s0], s1  }
0x1bb: {  	s0 =	simm.s32 @!p0 $0x1  }
0x1bc: {  	_ =	swait.ge @!p0 [sflag:s0], s1  }
0x1bd: {  	s1 =	ssub.s32 @!p0 $0x0, s1;
	[sflag:s0] =	ssyncset.done @!p0 $0x0  }
0x1be: {  	[sflag:s0] =	ssyncadd.s32 @!p0 s1  }
0x1bf: {  	[bflag:$0x3] =	sbarrier.arrive $0xFFFF  }
0x1c0: {  	_ =	shalt  }

</sc_bundles>
